<compile_context>
chip_gen: v7x
topology: tpu7x:2x2x1
jax: 0.10.2.dev20260603
libtpu: 0.0.44.dev20260713+nightly
codegen_flags: <defaults>
</compile_context>

<pallas_src>
import jax
import jax.numpy as jnp
from jax import lax
from jax.experimental import pallas as pl
from jax.experimental.pallas import tpu as pltpu
from jax.experimental.pallas import tpu_sc as plsc

_B, _S, _D = 4, 2048, 1024
_NW = 32
_SPW = _S // _NW
_SCH = 4
_NCH = _SPW // _SCH


def _bcast16(vec, lane):
    return lax.gather(
        vec, jnp.full((16, 1), lane, jnp.int32),
        lax.GatherDimensionNumbers(offset_dims=(),
                                   collapsed_slice_dims=(0,),
                                   start_index_map=(0,)),
        slice_sizes=(1,),
        mode=lax.GatherScatterMode.PROMISE_IN_BOUNDS)


def _sc_body(x_hbm, ids_hbm, seg_hbm, pos_hbm, out_hbm,
             xbuf, obuf, pbuf, idbuf, idibuf, segbuf, dsbuf, insem, outsem):
    cid = lax.axis_index("c")
    sid = lax.axis_index("s")
    wid = sid * 2 + cid
    s_base = wid * _SPW

    for b in range(_B):
        pltpu.sync_copy(ids_hbm.at[b, pl.ds(s_base, _SPW)], idibuf.at[b])
    pltpu.sync_copy(seg_hbm, segbuf)
    for b in range(_B):
        for i in range(_SPW // 16):
            sl = pl.ds(i * 16, 16)
            idbuf[b, sl] = idibuf[b, sl].astype(jnp.float32)

    @plsc.parallel_loop(0, _D // 16, 1, unroll=4)
    def _(i):
        sl = pl.ds(i * 16, 16)
        dsbuf[sl] = segbuf[1, sl] - segbuf[0, sl]

    def start_in(c):
        par = lax.rem(c, 3)
        s0 = s_base + c * _SCH
        pltpu.async_copy(x_hbm.at[:, pl.ds(s0, _SCH), :], xbuf.at[par], insem)
        pltpu.async_copy(pos_hbm.at[pl.ds(s0, _SCH), :], pbuf.at[par], insem)

    def wait_in():
        pltpu.make_async_copy(x_hbm.at[:, pl.ds(0, _SCH), :], xbuf.at[0],
                              insem).wait()
        pltpu.make_async_copy(pos_hbm.at[pl.ds(0, _SCH), :], pbuf.at[0],
                              insem).wait()

    def start_out(c):
        par = lax.rem(c, 2)
        s0 = s_base + c * _SCH
        pltpu.async_copy(obuf.at[par], out_hbm.at[:, pl.ds(s0, _SCH), :],
                         outsem)


    def wait_out():
        pltpu.make_async_copy(obuf.at[0], out_hbm.at[:, pl.ds(0, _SCH), :],
                              outsem).wait()

    start_in(0)
    start_in(1)

    def chunk_body(c, _):
        par = lax.rem(c, 3)
        opar = lax.rem(c, 2)

        @pl.when(c + 2 < _NCH)
        def _():
            start_in(c + 2)

        @pl.when(c >= 2)
        def _():
            wait_out()

        wait_in()

        win = (c // _SCH) * 16
        lane0 = lax.rem(c, _SCH) * _SCH
        idvecs = [idbuf[b, pl.ds(win, 16)] for b in range(_B)]

        @plsc.parallel_loop(0, _SCH * (_D // 16), 1, unroll=8)
        def _(i):
            s = i // (_D // 16)
            col = lax.rem(i, _D // 16) * 16
            sl = pl.ds(col, 16)
            t = pbuf[par, s, sl] + segbuf[0, sl]
            dvv = dsbuf[sl]
            for b in range(_B):
                m = _bcast16(idvecs[b], lane0 + s)
                obuf[opar, b, s, sl] = (xbuf[par, b, s, sl] + t) + m * dvv

        start_out(c)
        return 0
    lax.fori_loop(0, _NCH, chunk_body, 0)
    wait_out()
    wait_out()


@jax.jit
def _sc_call(x, ids, seg, pos):
    mesh = plsc.VectorSubcoreMesh(core_axis_name="c", subcore_axis_name="s")
    return pl.kernel(
        _sc_body,
        out_type=jax.ShapeDtypeStruct((_B, _S, _D), jnp.float32),
        mesh=mesh,
        scratch_types=[
            pltpu.VMEM((3, _B, _SCH, _D), jnp.float32),
            pltpu.VMEM((2, _B, _SCH, _D), jnp.float32),
            pltpu.VMEM((3, _SCH, _D), jnp.float32),
            pltpu.VMEM((_B, _SPW), jnp.float32),
            pltpu.VMEM((_B, _SPW), jnp.int32),
            pltpu.VMEM((2, _D), jnp.float32),
            pltpu.VMEM((_D,), jnp.float32),
            pltpu.SemaphoreType.DMA,
            pltpu.SemaphoreType.DMA,
        ],
    )(x, ids, seg, pos)


def kernel(x, segment_input_ids, segment_table, position_table):
    return _sc_call(x, segment_input_ids, segment_table, position_table)

# --- scband reference (transcript-rebuilt; emitter-appended) ---
"""Pipeline reference for scband-embeddings-60378650247240 (READ-ONLY COPY).

The authoritative reference and input builder live on the scoring server;
editing this copy changes nothing except your own understanding.
"""

import jax, jax.numpy as jnp
import numpy as np

B, S, D = 4, 2048, 1024
MAX_SEQ = 2048

def setup_inputs(seed: int = 0) -> dict:
    key = jax.random.key(seed)
    k1, k2, k3, k4 = jax.random.split(key, 4)
    x = jax.random.normal(k1, (B, S, D), dtype=jnp.float32)
    segment_input_ids = jax.random.randint(k2, (B, S), 0, 2, dtype=jnp.int64)
    segment_table = jax.random.normal(k3, (2, D), dtype=jnp.float32)
    position_table = jax.random.normal(k4, (MAX_SEQ, D), dtype=jnp.float32)
    return {"x": x, "segment_input_ids": segment_input_ids, "segment_table": segment_table, "position_table": position_table}

def reference(x, segment_input_ids, segment_table, position_table):
    seq_len = x.shape[1]
    positions = jnp.arange(seq_len)[None, :]
    pos_emb = jnp.take(position_table, positions, axis=0)
    seg_emb = jnp.take(segment_table, segment_input_ids, axis=0)
    x = x + seg_emb
    return x + pos_emb

if __name__ == "__main__":
    import jax
    _d = setup_inputs()
    print(jax.jit(kernel)(*tuple(_d.values())))

</pallas_src>

<mosaic_0001>
#map = affine_map<(d0, d1) -> (0, 0, 0)>
#map1 = affine_map<(d0, d1) -> (0, 0)>
module attributes {stable_mosaic.version = 14 : i64} {
  func.func @_sc_body(%arg0: i32, %arg1: i32, %arg2: memref<4x2048x1024xf32, #tpu.memory_space<hbm>>, %arg3: memref<4x2048xi32, #tpu.memory_space<hbm>>, %arg4: memref<2x1024xf32, #tpu.memory_space<hbm>>, %arg5: memref<2048x1024xf32, #tpu.memory_space<hbm>>, %arg6: memref<4x2048x1024xf32, #tpu.memory_space<hbm>>, %arg7: memref<3x4x4x1024xf32, #tpu.memory_space<vmem>>, %arg8: memref<2x4x4x1024xf32, #tpu.memory_space<vmem>>, %arg9: memref<3x4x1024xf32, #tpu.memory_space<vmem>>, %arg10: memref<4x64xf32, #tpu.memory_space<vmem>>, %arg11: memref<4x64xi32, #tpu.memory_space<vmem>>, %arg12: memref<2x1024xf32, #tpu.memory_space<vmem>>, %arg13: memref<1024xf32, #tpu.memory_space<vmem>>, %arg14: memref<!tpu.dma_semaphore, #tpu.memory_space<semaphore_mem>>, %arg15: memref<!tpu.dma_semaphore, #tpu.memory_space<semaphore_mem>>) attributes {dimension_semantics = [#tpu.dimension_semantics<core_parallel>, #tpu.dimension_semantics<subcore_parallel>], iteration_bounds = array<i64: 2, 16>, scalar_prefetch = 0 : i64, scratch_operands = 9 : i64, tpu.core_type = #tpu.core_type<sc_vector_subcore>, window_params = [{transform_indices = #map}, {transform_indices = #map1}, {transform_indices = #map1}, {transform_indices = #map1}, {transform_indices = #map}]} {
    %mul3A = arith.constant 2 : i32
    %mul3A_0 = arith.muli %arg1, %mul3A : i32
    %add3A = arith.addi %mul3A_0, %arg0 : i32
    %mul3A_1 = arith.constant 64 : i32
    %mul3A_2 = arith.muli %add3A, %mul3A_1 : i32
    %run_scoped3A = arith.constant 0 : i32
    %run_scoped3A_3 = arith.constant 0 : i32
    "tpu.region"() ({
      %run_scoped3A_308 = tpu.sem_alloc : memref<!tpu.dma_semaphore, #tpu.memory_space<semaphore_mem>>
      %dma_start3A_309 = arith.constant 0 : i32
      %dma_start3A_310 = tpu.memref_slice %arg11[%run_scoped3A_3, %dma_start3A_309] : memref<4x64xi32, #tpu.memory_space<vmem>> -> memref<1x64xi32, #tpu.memory_space<vmem>>
      %dma_start3A_311 = tpu.memref_squeeze %dma_start3A_310 : memref<1x64xi32, #tpu.memory_space<vmem>> -> memref<64xi32, #tpu.memory_space<vmem>>
      %dma_start3A_312 = tpu.memref_slice %arg3[%run_scoped3A, %mul3A_2] : memref<4x2048xi32, #tpu.memory_space<hbm>> -> memref<1x64xi32, #tpu.memory_space<hbm>>
      %dma_start3A_313 = tpu.memref_squeeze %dma_start3A_312 : memref<1x64xi32, #tpu.memory_space<hbm>> -> memref<64xi32, #tpu.memory_space<hbm>>
      %dma_start3A_314 = arith.constant 0 : i32
      %dma_start3A_315 = tpu.memref_slice %arg11[%run_scoped3A_3, %dma_start3A_314] : memref<4x64xi32, #tpu.memory_space<vmem>> -> memref<1x64xi32, #tpu.memory_space<vmem>>
      %dma_start3A_316 = tpu.memref_squeeze %dma_start3A_315 : memref<1x64xi32, #tpu.memory_space<vmem>> -> memref<64xi32, #tpu.memory_space<vmem>>
      %dma_start3A_317 = tpu.memref_slice %arg3[%run_scoped3A, %mul3A_2] : memref<4x2048xi32, #tpu.memory_space<hbm>> -> memref<1x64xi32, #tpu.memory_space<hbm>>
      %dma_start3A_318 = tpu.memref_squeeze %dma_start3A_317 : memref<1x64xi32, #tpu.memory_space<hbm>> -> memref<64xi32, #tpu.memory_space<hbm>>
      tpu.enqueue_dma source(%dma_start3A_318 : memref<64xi32, #tpu.memory_space<hbm>>) target(%dma_start3A_316 : memref<64xi32, #tpu.memory_space<vmem>>) target_semaphore(%run_scoped3A_308 : memref<!tpu.dma_semaphore, #tpu.memory_space<semaphore_mem>>)
      %dma_wait3A_319 = arith.constant 0 : i32
      %dma_wait3A_320 = tpu.memref_slice %arg11[%run_scoped3A_3, %dma_wait3A_319] : memref<4x64xi32, #tpu.memory_space<vmem>> -> memref<1x64xi32, #tpu.memory_space<vmem>>
      %dma_wait3A_321 = tpu.memref_squeeze %dma_wait3A_320 : memref<1x64xi32, #tpu.memory_space<vmem>> -> memref<64xi32, #tpu.memory_space<vmem>>
      %dma_wait3A_322 = tpu.memref_slice %arg3[%run_scoped3A, %mul3A_2] : memref<4x2048xi32, #tpu.memory_space<hbm>> -> memref<1x64xi32, #tpu.memory_space<hbm>>
      %dma_wait3A_323 = tpu.memref_squeeze %dma_wait3A_322 : memref<1x64xi32, #tpu.memory_space<hbm>> -> memref<64xi32, #tpu.memory_space<hbm>>
      %dma_wait3A_324 = arith.constant 0 : i32
      %dma_wait3A_325 = tpu.memref_slice %arg11[%run_scoped3A_3, %dma_wait3A_324] : memref<4x64xi32, #tpu.memory_space<vmem>> -> memref<1x64xi32, #tpu.memory_space<vmem>>
      %dma_wait3A_326 = tpu.memref_squeeze %dma_wait3A_325 : memref<1x64xi32, #tpu.memory_space<vmem>> -> memref<64xi32, #tpu.memory_space<vmem>>
      %dma_wait3A_327 = tpu.memref_slice %arg3[%run_scoped3A, %mul3A_2] : memref<4x2048xi32, #tpu.memory_space<hbm>> -> memref<1x64xi32, #tpu.memory_space<hbm>>
      %dma_wait3A_328 = tpu.memref_squeeze %dma_wait3A_327 : memref<1x64xi32, #tpu.memory_space<hbm>> -> memref<64xi32, #tpu.memory_space<hbm>>
      tpu.wait_dma2 semaphore(%run_scoped3A_308 : memref<!tpu.dma_semaphore, #tpu.memory_space<semaphore_mem>>) src(%dma_wait3A_328 : memref<64xi32, #tpu.memory_space<hbm>>) dst(%dma_wait3A_326 : memref<64xi32, #tpu.memory_space<vmem>>)
      tpu.yield
    }) : () -> ()
    %run_scoped3A_4 = arith.constant 1 : i32
    %run_scoped3A_5 = arith.constant 1 : i32
    "tpu.region"() ({
      %run_scoped3A_308 = tpu.sem_alloc : memref<!tpu.dma_semaphore, #tpu.memory_space<semaphore_mem>>
      %dma_start3A_309 = arith.constant 0 : i32
      %dma_start3A_310 = tpu.memref_slice %arg11[%run_scoped3A_5, %dma_start3A_309] : memref<4x64xi32, #tpu.memory_space<vmem>> -> memref<1x64xi32, #tpu.memory_space<vmem>>
      %dma_start3A_311 = tpu.memref_squeeze %dma_start3A_310 : memref<1x64xi32, #tpu.memory_space<vmem>> -> memref<64xi32, #tpu.memory_space<vmem>>
      %dma_start3A_312 = tpu.memref_slice %arg3[%run_scoped3A_4, %mul3A_2] : memref<4x2048xi32, #tpu.memory_space<hbm>> -> memref<1x64xi32, #tpu.memory_space<hbm>>
      %dma_start3A_313 = tpu.memref_squeeze %dma_start3A_312 : memref<1x64xi32, #tpu.memory_space<hbm>> -> memref<64xi32, #tpu.memory_space<hbm>>
      %dma_start3A_314 = arith.constant 0 : i32
      %dma_start3A_315 = tpu.memref_slice %arg11[%run_scoped3A_5, %dma_start3A_314] : memref<4x64xi32, #tpu.memory_space<vmem>> -> memref<1x64xi32, #tpu.memory_space<vmem>>
      %dma_start3A_316 = tpu.memref_squeeze %dma_start3A_315 : memref<1x64xi32, #tpu.memory_space<vmem>> -> memref<64xi32, #tpu.memory_space<vmem>>
      %dma_start3A_317 = tpu.memref_slice %arg3[%run_scoped3A_4, %mul3A_2] : memref<4x2048xi32, #tpu.memory_space<hbm>> -> memref<1x64xi32, #tpu.memory_space<hbm>>
      %dma_start3A_318 = tpu.memref_squeeze %dma_start3A_317 : memref<1x64xi32, #tpu.memory_space<hbm>> -> memref<64xi32, #tpu.memory_space<hbm>>
      tpu.enqueue_dma source(%dma_start3A_318 : memref<64xi32, #tpu.memory_space<hbm>>) target(%dma_start3A_316 : memref<64xi32, #tpu.memory_space<vmem>>) target_semaphore(%run_scoped3A_308 : memref<!tpu.dma_semaphore, #tpu.memory_space<semaphore_mem>>)
      %dma_wait3A_319 = arith.constant 0 : i32
      %dma_wait3A_320 = tpu.memref_slice %arg11[%run_scoped3A_5, %dma_wait3A_319] : memref<4x64xi32, #tpu.memory_space<vmem>> -> memref<1x64xi32, #tpu.memory_space<vmem>>
      %dma_wait3A_321 = tpu.memref_squeeze %dma_wait3A_320 : memref<1x64xi32, #tpu.memory_space<vmem>> -> memref<64xi32, #tpu.memory_space<vmem>>
      %dma_wait3A_322 = tpu.memref_slice %arg3[%run_scoped3A_4, %mul3A_2] : memref<4x2048xi32, #tpu.memory_space<hbm>> -> memref<1x64xi32, #tpu.memory_space<hbm>>
      %dma_wait3A_323 = tpu.memref_squeeze %dma_wait3A_322 : memref<1x64xi32, #tpu.memory_space<hbm>> -> memref<64xi32, #tpu.memory_space<hbm>>
      %dma_wait3A_324 = arith.constant 0 : i32
      %dma_wait3A_325 = tpu.memref_slice %arg11[%run_scoped3A_5, %dma_wait3A_324] : memref<4x64xi32, #tpu.memory_space<vmem>> -> memref<1x64xi32, #tpu.memory_space<vmem>>
      %dma_wait3A_326 = tpu.memref_squeeze %dma_wait3A_325 : memref<1x64xi32, #tpu.memory_space<vmem>> -> memref<64xi32, #tpu.memory_space<vmem>>
      %dma_wait3A_327 = tpu.memref_slice %arg3[%run_scoped3A_4, %mul3A_2] : memref<4x2048xi32, #tpu.memory_space<hbm>> -> memref<1x64xi32, #tpu.memory_space<hbm>>
      %dma_wait3A_328 = tpu.memref_squeeze %dma_wait3A_327 : memref<1x64xi32, #tpu.memory_space<hbm>> -> memref<64xi32, #tpu.memory_space<hbm>>
      tpu.wait_dma2 semaphore(%run_scoped3A_308 : memref<!tpu.dma_semaphore, #tpu.memory_space<semaphore_mem>>) src(%dma_wait3A_328 : memref<64xi32, #tpu.memory_space<hbm>>) dst(%dma_wait3A_326 : memref<64xi32, #tpu.memory_space<vmem>>)
      tpu.yield
    }) : () -> ()
    %run_scoped3A_6 = arith.constant 2 : i32
    %run_scoped3A_7 = arith.constant 2 : i32
    "tpu.region"() ({
      %run_scoped3A_308 = tpu.sem_alloc : memref<!tpu.dma_semaphore, #tpu.memory_space<semaphore_mem>>
      %dma_start3A_309 = arith.constant 0 : i32
      %dma_start3A_310 = tpu.memref_slice %arg11[%run_scoped3A_7, %dma_start3A_309] : memref<4x64xi32, #tpu.memory_space<vmem>> -> memref<1x64xi32, #tpu.memory_space<vmem>>
      %dma_start3A_311 = tpu.memref_squeeze %dma_start3A_310 : memref<1x64xi32, #tpu.memory_space<vmem>> -> memref<64xi32, #tpu.memory_space<vmem>>
      %dma_start3A_312 = tpu.memref_slice %arg3[%run_scoped3A_6, %mul3A_2] : memref<4x2048xi32, #tpu.memory_space<hbm>> -> memref<1x64xi32, #tpu.memory_space<hbm>>
      %dma_start3A_313 = tpu.memref_squeeze %dma_start3A_312 : memref<1x64xi32, #tpu.memory_space<hbm>> -> memref<64xi32, #tpu.memory_space<hbm>>
      %dma_start3A_314 = arith.constant 0 : i32
      %dma_start3A_315 = tpu.memref_slice %arg11[%run_scoped3A_7, %dma_start3A_314] : memref<4x64xi32, #tpu.memory_space<vmem>> -> memref<1x64xi32, #tpu.memory_space<vmem>>
      %dma_start3A_316 = tpu.memref_squeeze %dma_start3A_315 : memref<1x64xi32, #tpu.memory_space<vmem>> -> memref<64xi32, #tpu.memory_space<vmem>>
      %dma_start3A_317 = tpu.memref_slice %arg3[%run_scoped3A_6, %mul3A_2] : memref<4x2048xi32, #tpu.memory_space<hbm>> -> memref<1x64xi32, #tpu.memory_space<hbm>>
      %dma_start3A_318 = tpu.memref_squeeze %dma_start3A_317 : memref<1x64xi32, #tpu.memory_space<hbm>> -> memref<64xi32, #tpu.memory_space<hbm>>
      tpu.enqueue_dma source(%dma_start3A_318 : memref<64xi32, #tpu.memory_space<hbm>>) target(%dma_start3A_316 : memref<64xi32, #tpu.memory_space<vmem>>) target_semaphore(%run_scoped3A_308 : memref<!tpu.dma_semaphore, #tpu.memory_space<semaphore_mem>>)
      %dma_wait3A_319 = arith.constant 0 : i32
      %dma_wait3A_320 = tpu.memref_slice %arg11[%run_scoped3A_7, %dma_wait3A_319] : memref<4x64xi32, #tpu.memory_space<vmem>> -> memref<1x64xi32, #tpu.memory_space<vmem>>
      %dma_wait3A_321 = tpu.memref_squeeze %dma_wait3A_320 : memref<1x64xi32, #tpu.memory_space<vmem>> -> memref<64xi32, #tpu.memory_space<vmem>>
      %dma_wait3A_322 = tpu.memref_slice %arg3[%run_scoped3A_6, %mul3A_2] : memref<4x2048xi32, #tpu.memory_space<hbm>> -> memref<1x64xi32, #tpu.memory_space<hbm>>
      %dma_wait3A_323 = tpu.memref_squeeze %dma_wait3A_322 : memref<1x64xi32, #tpu.memory_space<hbm>> -> memref<64xi32, #tpu.memory_space<hbm>>
      %dma_wait3A_324 = arith.constant 0 : i32
      %dma_wait3A_325 = tpu.memref_slice %arg11[%run_scoped3A_7, %dma_wait3A_324] : memref<4x64xi32, #tpu.memory_space<vmem>> -> memref<1x64xi32, #tpu.memory_space<vmem>>
      %dma_wait3A_326 = tpu.memref_squeeze %dma_wait3A_325 : memref<1x64xi32, #tpu.memory_space<vmem>> -> memref<64xi32, #tpu.memory_space<vmem>>
      %dma_wait3A_327 = tpu.memref_slice %arg3[%run_scoped3A_6, %mul3A_2] : memref<4x2048xi32, #tpu.memory_space<hbm>> -> memref<1x64xi32, #tpu.memory_space<hbm>>
      %dma_wait3A_328 = tpu.memref_squeeze %dma_wait3A_327 : memref<1x64xi32, #tpu.memory_space<hbm>> -> memref<64xi32, #tpu.memory_space<hbm>>
      tpu.wait_dma2 semaphore(%run_scoped3A_308 : memref<!tpu.dma_semaphore, #tpu.memory_space<semaphore_mem>>) src(%dma_wait3A_328 : memref<64xi32, #tpu.memory_space<hbm>>) dst(%dma_wait3A_326 : memref<64xi32, #tpu.memory_space<vmem>>)
      tpu.yield
    }) : () -> ()
    %run_scoped3A_8 = arith.constant 3 : i32
    %run_scoped3A_9 = arith.constant 3 : i32
    "tpu.region"() ({
      %run_scoped3A_308 = tpu.sem_alloc : memref<!tpu.dma_semaphore, #tpu.memory_space<semaphore_mem>>
      %dma_start3A_309 = arith.constant 0 : i32
      %dma_start3A_310 = tpu.memref_slice %arg11[%run_scoped3A_9, %dma_start3A_309] : memref<4x64xi32, #tpu.memory_space<vmem>> -> memref<1x64xi32, #tpu.memory_space<vmem>>
      %dma_start3A_311 = tpu.memref_squeeze %dma_start3A_310 : memref<1x64xi32, #tpu.memory_space<vmem>> -> memref<64xi32, #tpu.memory_space<vmem>>
      %dma_start3A_312 = tpu.memref_slice %arg3[%run_scoped3A_8, %mul3A_2] : memref<4x2048xi32, #tpu.memory_space<hbm>> -> memref<1x64xi32, #tpu.memory_space<hbm>>
      %dma_start3A_313 = tpu.memref_squeeze %dma_start3A_312 : memref<1x64xi32, #tpu.memory_space<hbm>> -> memref<64xi32, #tpu.memory_space<hbm>>
      %dma_start3A_314 = arith.constant 0 : i32
      %dma_start3A_315 = tpu.memref_slice %arg11[%run_scoped3A_9, %dma_start3A_314] : memref<4x64xi32, #tpu.memory_space<vmem>> -> memref<1x64xi32, #tpu.memory_space<vmem>>
      %dma_start3A_316 = tpu.memref_squeeze %dma_start3A_315 : memref<1x64xi32, #tpu.memory_space<vmem>> -> memref<64xi32, #tpu.memory_space<vmem>>
      %dma_start3A_317 = tpu.memref_slice %arg3[%run_scoped3A_8, %mul3A_2] : memref<4x2048xi32, #tpu.memory_space<hbm>> -> memref<1x64xi32, #tpu.memory_space<hbm>>
      %dma_start3A_318 = tpu.memref_squeeze %dma_start3A_317 : memref<1x64xi32, #tpu.memory_space<hbm>> -> memref<64xi32, #tpu.memory_space<hbm>>
      tpu.enqueue_dma source(%dma_start3A_318 : memref<64xi32, #tpu.memory_space<hbm>>) target(%dma_start3A_316 : memref<64xi32, #tpu.memory_space<vmem>>) target_semaphore(%run_scoped3A_308 : memref<!tpu.dma_semaphore, #tpu.memory_space<semaphore_mem>>)
      %dma_wait3A_319 = arith.constant 0 : i32
      %dma_wait3A_320 = tpu.memref_slice %arg11[%run_scoped3A_9, %dma_wait3A_319] : memref<4x64xi32, #tpu.memory_space<vmem>> -> memref<1x64xi32, #tpu.memory_space<vmem>>
      %dma_wait3A_321 = tpu.memref_squeeze %dma_wait3A_320 : memref<1x64xi32, #tpu.memory_space<vmem>> -> memref<64xi32, #tpu.memory_space<vmem>>
      %dma_wait3A_322 = tpu.memref_slice %arg3[%run_scoped3A_8, %mul3A_2] : memref<4x2048xi32, #tpu.memory_space<hbm>> -> memref<1x64xi32, #tpu.memory_space<hbm>>
      %dma_wait3A_323 = tpu.memref_squeeze %dma_wait3A_322 : memref<1x64xi32, #tpu.memory_space<hbm>> -> memref<64xi32, #tpu.memory_space<hbm>>
      %dma_wait3A_324 = arith.constant 0 : i32
      %dma_wait3A_325 = tpu.memref_slice %arg11[%run_scoped3A_9, %dma_wait3A_324] : memref<4x64xi32, #tpu.memory_space<vmem>> -> memref<1x64xi32, #tpu.memory_space<vmem>>
      %dma_wait3A_326 = tpu.memref_squeeze %dma_wait3A_325 : memref<1x64xi32, #tpu.memory_space<vmem>> -> memref<64xi32, #tpu.memory_space<vmem>>
      %dma_wait3A_327 = tpu.memref_slice %arg3[%run_scoped3A_8, %mul3A_2] : memref<4x2048xi32, #tpu.memory_space<hbm>> -> memref<1x64xi32, #tpu.memory_space<hbm>>
      %dma_wait3A_328 = tpu.memref_squeeze %dma_wait3A_327 : memref<1x64xi32, #tpu.memory_space<hbm>> -> memref<64xi32, #tpu.memory_space<hbm>>
      tpu.wait_dma2 semaphore(%run_scoped3A_308 : memref<!tpu.dma_semaphore, #tpu.memory_space<semaphore_mem>>) src(%dma_wait3A_328 : memref<64xi32, #tpu.memory_space<hbm>>) dst(%dma_wait3A_326 : memref<64xi32, #tpu.memory_space<vmem>>)
      tpu.yield
    }) : () -> ()
    "tpu.region"() ({
      %run_scoped3A_308 = tpu.sem_alloc : memref<!tpu.dma_semaphore, #tpu.memory_space<semaphore_mem>>
      tpu.enqueue_dma source(%arg4 : memref<2x1024xf32, #tpu.memory_space<hbm>>) target(%arg12 : memref<2x1024xf32, #tpu.memory_space<vmem>>) target_semaphore(%run_scoped3A_308 : memref<!tpu.dma_semaphore, #tpu.memory_space<semaphore_mem>>)
      tpu.wait_dma2 semaphore(%run_scoped3A_308 : memref<!tpu.dma_semaphore, #tpu.memory_space<semaphore_mem>>) src(%arg4 : memref<2x1024xf32, #tpu.memory_space<hbm>>) dst(%arg12 : memref<2x1024xf32, #tpu.memory_space<vmem>>)
      tpu.yield
    }) : () -> ()
    %get3A = arith.constant 0 : i32
    %get3A_10 = arith.index_cast %get3A : i32 to index
    %get3A_11 = arith.constant 0 : index
    %get3A_12 = tpu.vector_load %arg11[%get3A_10, %get3A_11] {strides = array<i32>} : memref<4x64xi32, #tpu.memory_space<vmem>>, vector<1x16xi32>,
    %get3A_13 = vector.shape_cast %get3A_12 : vector<1x16xi32> to vector<16xi32>
    %convert_element_type3A = arith.sitofp %get3A_13 : vector<16xi32> to vector<16xf32>
    %swap3A = arith.constant 0 : i32
    %swap3A_14 = arith.index_cast %swap3A : i32 to index
    %swap3A_15 = arith.constant 0 : index
    %swap3A_16 = tpu.vector_load %arg10[%swap3A_14, %swap3A_15] {strides = array<i32>} : memref<4x64xf32, #tpu.memory_space<vmem>>, vector<1x16xf32>,
    %swap3A_17 = vector.shape_cast %swap3A_16 : vector<1x16xf32> to vector<16xf32>
    %swap3A_18 = vector.shape_cast %convert_element_type3A : vector<16xf32> to vector<1x16xf32>
    tpu.vector_store %arg10[%swap3A_14, %swap3A_15], %swap3A_18 {strides = array<i32>} : memref<4x64xf32, #tpu.memory_space<vmem>>, vector<1x16xf32>,
    %get3A_19 = arith.constant 0 : i32
    %get3A_20 = arith.index_cast %get3A_19 : i32 to index
    %get3A_21 = arith.constant 16 : index
    %get3A_22 = tpu.vector_load %arg11[%get3A_20, %get3A_21] {strides = array<i32>} : memref<4x64xi32, #tpu.memory_space<vmem>>, vector<1x16xi32>,
    %get3A_23 = vector.shape_cast %get3A_22 : vector<1x16xi32> to vector<16xi32>
    %convert_element_type3A_24 = arith.sitofp %get3A_23 : vector<16xi32> to vector<16xf32>
    %swap3A_25 = arith.constant 0 : i32
    %swap3A_26 = arith.index_cast %swap3A_25 : i32 to index
    %swap3A_27 = arith.constant 16 : index
    %swap3A_28 = tpu.vector_load %arg10[%swap3A_26, %swap3A_27] {strides = array<i32>} : memref<4x64xf32, #tpu.memory_space<vmem>>, vector<1x16xf32>,
    %swap3A_29 = vector.shape_cast %swap3A_28 : vector<1x16xf32> to vector<16xf32>
    %swap3A_30 = vector.shape_cast %convert_element_type3A_24 : vector<16xf32> to vector<1x16xf32>
    tpu.vector_store %arg10[%swap3A_26, %swap3A_27], %swap3A_30 {strides = array<i32>} : memref<4x64xf32, #tpu.memory_space<vmem>>, vector<1x16xf32>,
    %get3A_31 = arith.constant 0 : i32
    %get3A_32 = arith.index_cast %get3A_31 : i32 to index
    %get3A_33 = arith.constant 32 : index
    %get3A_34 = tpu.vector_load %arg11[%get3A_32, %get3A_33] {strides = array<i32>} : memref<4x64xi32, #tpu.memory_space<vmem>>, vector<1x16xi32>,
    %get3A_35 = vector.shape_cast %get3A_34 : vector<1x16xi32> to vector<16xi32>
    %convert_element_type3A_36 = arith.sitofp %get3A_35 : vector<16xi32> to vector<16xf32>
    %swap3A_37 = arith.constant 0 : i32
    %swap3A_38 = arith.index_cast %swap3A_37 : i32 to index
    %swap3A_39 = arith.constant 32 : index
    %swap3A_40 = tpu.vector_load %arg10[%swap3A_38, %swap3A_39] {strides = array<i32>} : memref<4x64xf32, #tpu.memory_space<vmem>>, vector<1x16xf32>,
    %swap3A_41 = vector.shape_cast %swap3A_40 : vector<1x16xf32> to vector<16xf32>
    %swap3A_42 = vector.shape_cast %convert_element_type3A_36 : vector<16xf32> to vector<1x16xf32>
    tpu.vector_store %arg10[%swap3A_38, %swap3A_39], %swap3A_42 {strides = array<i32>} : memref<4x64xf32, #tpu.memory_space<vmem>>, vector<1x16xf32>,
    %get3A_43 = arith.constant 0 : i32
    %get3A_44 = arith.index_cast %get3A_43 : i32 to index
    %get3A_45 = arith.constant 48 : index
    %get3A_46 = tpu.vector_load %arg11[%get3A_44, %get3A_45] {strides = array<i32>} : memref<4x64xi32, #tpu.memory_space<vmem>>, vector<1x16xi32>,
    %get3A_47 = vector.shape_cast %get3A_46 : vector<1x16xi32> to vector<16xi32>
    %convert_element_type3A_48 = arith.sitofp %get3A_47 : vector<16xi32> to vector<16xf32>
    %swap3A_49 = arith.constant 0 : i32
    %swap3A_50 = arith.index_cast %swap3A_49 : i32 to index
    %swap3A_51 = arith.constant 48 : index
    %swap3A_52 = tpu.vector_load %arg10[%swap3A_50, %swap3A_51] {strides = array<i32>} : memref<4x64xf32, #tpu.memory_space<vmem>>, vector<1x16xf32>,
    %swap3A_53 = vector.shape_cast %swap3A_52 : vector<1x16xf32> to vector<16xf32>
    %swap3A_54 = vector.shape_cast %convert_element_type3A_48 : vector<16xf32> to vector<1x16xf32>
    tpu.vector_store %arg10[%swap3A_50, %swap3A_51], %swap3A_54 {strides = array<i32>} : memref<4x64xf32, #tpu.memory_space<vmem>>, vector<1x16xf32>,
    %get3A_55 = arith.constant 1 : i32
    %get3A_56 = arith.index_cast %get3A_55 : i32 to index
    %get3A_57 = arith.constant 0 : index
    %get3A_58 = tpu.vector_load %arg11[%get3A_56, %get3A_57] {strides = array<i32>} : memref<4x64xi32, #tpu.memory_space<vmem>>, vector<1x16xi32>,
    %get3A_59 = vector.shape_cast %get3A_58 : vector<1x16xi32> to vector<16xi32>
    %convert_element_type3A_60 = arith.sitofp %get3A_59 : vector<16xi32> to vector<16xf32>
    %swap3A_61 = arith.constant 1 : i32
    %swap3A_62 = arith.index_cast %swap3A_61 : i32 to index
    %swap3A_63 = arith.constant 0 : index
    %swap3A_64 = tpu.vector_load %arg10[%swap3A_62, %swap3A_63] {strides = array<i32>} : memref<4x64xf32, #tpu.memory_space<vmem>>, vector<1x16xf32>,
    %swap3A_65 = vector.shape_cast %swap3A_64 : vector<1x16xf32> to vector<16xf32>
    %swap3A_66 = vector.shape_cast %convert_element_type3A_60 : vector<16xf32> to vector<1x16xf32>
    tpu.vector_store %arg10[%swap3A_62, %swap3A_63], %swap3A_66 {strides = array<i32>} : memref<4x64xf32, #tpu.memory_space<vmem>>, vector<1x16xf32>,
    %get3A_67 = arith.constant 1 : i32
    %get3A_68 = arith.index_cast %get3A_67 : i32 to index
    %get3A_69 = arith.constant 16 : index
    %get3A_70 = tpu.vector_load %arg11[%get3A_68, %get3A_69] {strides = array<i32>} : memref<4x64xi32, #tpu.memory_space<vmem>>, vector<1x16xi32>,
    %get3A_71 = vector.shape_cast %get3A_70 : vector<1x16xi32> to vector<16xi32>
    %convert_element_type3A_72 = arith.sitofp %get3A_71 : vector<16xi32> to vector<16xf32>
    %swap3A_73 = arith.constant 1 : i32
    %swap3A_74 = arith.index_cast %swap3A_73 : i32 to index
    %swap3A_75 = arith.constant 16 : index
    %swap3A_76 = tpu.vector_load %arg10[%swap3A_74, %swap3A_75] {strides = array<i32>} : memref<4x64xf32, #tpu.memory_space<vmem>>, vector<1x16xf32>,
    %swap3A_77 = vector.shape_cast %swap3A_76 : vector<1x16xf32> to vector<16xf32>
    %swap3A_78 = vector.shape_cast %convert_element_type3A_72 : vector<16xf32> to vector<1x16xf32>
    tpu.vector_store %arg10[%swap3A_74, %swap3A_75], %swap3A_78 {strides = array<i32>} : memref<4x64xf32, #tpu.memory_space<vmem>>, vector<1x16xf32>,
    %get3A_79 = arith.constant 1 : i32
    %get3A_80 = arith.index_cast %get3A_79 : i32 to index
    %get3A_81 = arith.constant 32 : index
    %get3A_82 = tpu.vector_load %arg11[%get3A_80, %get3A_81] {strides = array<i32>} : memref<4x64xi32, #tpu.memory_space<vmem>>, vector<1x16xi32>,
    %get3A_83 = vector.shape_cast %get3A_82 : vector<1x16xi32> to vector<16xi32>
    %convert_element_type3A_84 = arith.sitofp %get3A_83 : vector<16xi32> to vector<16xf32>
    %swap3A_85 = arith.constant 1 : i32
    %swap3A_86 = arith.index_cast %swap3A_85 : i32 to index
    %swap3A_87 = arith.constant 32 : index
    %swap3A_88 = tpu.vector_load %arg10[%swap3A_86, %swap3A_87] {strides = array<i32>} : memref<4x64xf32, #tpu.memory_space<vmem>>, vector<1x16xf32>,
    %swap3A_89 = vector.shape_cast %swap3A_88 : vector<1x16xf32> to vector<16xf32>
    %swap3A_90 = vector.shape_cast %convert_element_type3A_84 : vector<16xf32> to vector<1x16xf32>
    tpu.vector_store %arg10[%swap3A_86, %swap3A_87], %swap3A_90 {strides = array<i32>} : memref<4x64xf32, #tpu.memory_space<vmem>>, vector<1x16xf32>,
    %get3A_91 = arith.constant 1 : i32
    %get3A_92 = arith.index_cast %get3A_91 : i32 to index
    %get3A_93 = arith.constant 48 : index
    %get3A_94 = tpu.vector_load %arg11[%get3A_92, %get3A_93] {strides = array<i32>} : memref<4x64xi32, #tpu.memory_space<vmem>>, vector<1x16xi32>,
    %get3A_95 = vector.shape_cast %get3A_94 : vector<1x16xi32> to vector<16xi32>
    %convert_element_type3A_96 = arith.sitofp %get3A_95 : vector<16xi32> to vector<16xf32>
    %swap3A_97 = arith.constant 1 : i32
    %swap3A_98 = arith.index_cast %swap3A_97 : i32 to index
    %swap3A_99 = arith.constant 48 : index
    %swap3A_100 = tpu.vector_load %arg10[%swap3A_98, %swap3A_99] {strides = array<i32>} : memref<4x64xf32, #tpu.memory_space<vmem>>, vector<1x16xf32>,
    %swap3A_101 = vector.shape_cast %swap3A_100 : vector<1x16xf32> to vector<16xf32>
    %swap3A_102 = vector.shape_cast %convert_element_type3A_96 : vector<16xf32> to vector<1x16xf32>
    tpu.vector_store %arg10[%swap3A_98, %swap3A_99], %swap3A_102 {strides = array<i32>} : memref<4x64xf32, #tpu.memory_space<vmem>>, vector<1x16xf32>,
    %get3A_103 = arith.constant 2 : i32
    %get3A_104 = arith.index_cast %get3A_103 : i32 to index
    %get3A_105 = arith.constant 0 : index
    %get3A_106 = tpu.vector_load %arg11[%get3A_104, %get3A_105] {strides = array<i32>} : memref<4x64xi32, #tpu.memory_space<vmem>>, vector<1x16xi32>,
    %get3A_107 = vector.shape_cast %get3A_106 : vector<1x16xi32> to vector<16xi32>
    %convert_element_type3A_108 = arith.sitofp %get3A_107 : vector<16xi32> to vector<16xf32>
    %swap3A_109 = arith.constant 2 : i32
    %swap3A_110 = arith.index_cast %swap3A_109 : i32 to index
    %swap3A_111 = arith.constant 0 : index
    %swap3A_112 = tpu.vector_load %arg10[%swap3A_110, %swap3A_111] {strides = array<i32>} : memref<4x64xf32, #tpu.memory_space<vmem>>, vector<1x16xf32>,
    %swap3A_113 = vector.shape_cast %swap3A_112 : vector<1x16xf32> to vector<16xf32>
    %swap3A_114 = vector.shape_cast %convert_element_type3A_108 : vector<16xf32> to vector<1x16xf32>
    tpu.vector_store %arg10[%swap3A_110, %swap3A_111], %swap3A_114 {strides = array<i32>} : memref<4x64xf32, #tpu.memory_space<vmem>>, vector<1x16xf32>,
    %get3A_115 = arith.constant 2 : i32
    %get3A_116 = arith.index_cast %get3A_115 : i32 to index
    %get3A_117 = arith.constant 16 : index
    %get3A_118 = tpu.vector_load %arg11[%get3A_116, %get3A_117] {strides = array<i32>} : memref<4x64xi32, #tpu.memory_space<vmem>>, vector<1x16xi32>,
    %get3A_119 = vector.shape_cast %get3A_118 : vector<1x16xi32> to vector<16xi32>
    %convert_element_type3A_120 = arith.sitofp %get3A_119 : vector<16xi32> to vector<16xf32>
    %swap3A_121 = arith.constant 2 : i32
    %swap3A_122 = arith.index_cast %swap3A_121 : i32 to index
    %swap3A_123 = arith.constant 16 : index
    %swap3A_124 = tpu.vector_load %arg10[%swap3A_122, %swap3A_123] {strides = array<i32>} : memref<4x64xf32, #tpu.memory_space<vmem>>, vector<1x16xf32>,
    %swap3A_125 = vector.shape_cast %swap3A_124 : vector<1x16xf32> to vector<16xf32>
    %swap3A_126 = vector.shape_cast %convert_element_type3A_120 : vector<16xf32> to vector<1x16xf32>
    tpu.vector_store %arg10[%swap3A_122, %swap3A_123], %swap3A_126 {strides = array<i32>} : memref<4x64xf32, #tpu.memory_space<vmem>>, vector<1x16xf32>,
    %get3A_127 = arith.constant 2 : i32
    %get3A_128 = arith.index_cast %get3A_127 : i32 to index
    %get3A_129 = arith.constant 32 : index
    %get3A_130 = tpu.vector_load %arg11[%get3A_128, %get3A_129] {strides = array<i32>} : memref<4x64xi32, #tpu.memory_space<vmem>>, vector<1x16xi32>,
    %get3A_131 = vector.shape_cast %get3A_130 : vector<1x16xi32> to vector<16xi32>
    %convert_element_type3A_132 = arith.sitofp %get3A_131 : vector<16xi32> to vector<16xf32>
    %swap3A_133 = arith.constant 2 : i32
    %swap3A_134 = arith.index_cast %swap3A_133 : i32 to index
    %swap3A_135 = arith.constant 32 : index
    %swap3A_136 = tpu.vector_load %arg10[%swap3A_134, %swap3A_135] {strides = array<i32>} : memref<4x64xf32, #tpu.memory_space<vmem>>, vector<1x16xf32>,
    %swap3A_137 = vector.shape_cast %swap3A_136 : vector<1x16xf32> to vector<16xf32>
    %swap3A_138 = vector.shape_cast %convert_element_type3A_132 : vector<16xf32> to vector<1x16xf32>
    tpu.vector_store %arg10[%swap3A_134, %swap3A_135], %swap3A_138 {strides = array<i32>} : memref<4x64xf32, #tpu.memory_space<vmem>>, vector<1x16xf32>,
    %get3A_139 = arith.constant 2 : i32
    %get3A_140 = arith.index_cast %get3A_139 : i32 to index
    %get3A_141 = arith.constant 48 : index
    %get3A_142 = tpu.vector_load %arg11[%get3A_140, %get3A_141] {strides = array<i32>} : memref<4x64xi32, #tpu.memory_space<vmem>>, vector<1x16xi32>,
    %get3A_143 = vector.shape_cast %get3A_142 : vector<1x16xi32> to vector<16xi32>
    %convert_element_type3A_144 = arith.sitofp %get3A_143 : vector<16xi32> to vector<16xf32>
    %swap3A_145 = arith.constant 2 : i32
    %swap3A_146 = arith.index_cast %swap3A_145 : i32 to index
    %swap3A_147 = arith.constant 48 : index
    %swap3A_148 = tpu.vector_load %arg10[%swap3A_146, %swap3A_147] {strides = array<i32>} : memref<4x64xf32, #tpu.memory_space<vmem>>, vector<1x16xf32>,
    %swap3A_149 = vector.shape_cast %swap3A_148 : vector<1x16xf32> to vector<16xf32>
    %swap3A_150 = vector.shape_cast %convert_element_type3A_144 : vector<16xf32> to vector<1x16xf32>
    tpu.vector_store %arg10[%swap3A_146, %swap3A_147], %swap3A_150 {strides = array<i32>} : memref<4x64xf32, #tpu.memory_space<vmem>>, vector<1x16xf32>,
    %get3A_151 = arith.constant 3 : i32
    %get3A_152 = arith.index_cast %get3A_151 : i32 to index
    %get3A_153 = arith.constant 0 : index
    %get3A_154 = tpu.vector_load %arg11[%get3A_152, %get3A_153] {strides = array<i32>} : memref<4x64xi32, #tpu.memory_space<vmem>>, vector<1x16xi32>,
    %get3A_155 = vector.shape_cast %get3A_154 : vector<1x16xi32> to vector<16xi32>
    %convert_element_type3A_156 = arith.sitofp %get3A_155 : vector<16xi32> to vector<16xf32>
    %swap3A_157 = arith.constant 3 : i32
    %swap3A_158 = arith.index_cast %swap3A_157 : i32 to index
    %swap3A_159 = arith.constant 0 : index
    %swap3A_160 = tpu.vector_load %arg10[%swap3A_158, %swap3A_159] {strides = array<i32>} : memref<4x64xf32, #tpu.memory_space<vmem>>, vector<1x16xf32>,
    %swap3A_161 = vector.shape_cast %swap3A_160 : vector<1x16xf32> to vector<16xf32>
    %swap3A_162 = vector.shape_cast %convert_element_type3A_156 : vector<16xf32> to vector<1x16xf32>
    tpu.vector_store %arg10[%swap3A_158, %swap3A_159], %swap3A_162 {strides = array<i32>} : memref<4x64xf32, #tpu.memory_space<vmem>>, vector<1x16xf32>,
    %get3A_163 = arith.constant 3 : i32
    %get3A_164 = arith.index_cast %get3A_163 : i32 to index
    %get3A_165 = arith.constant 16 : index
    %get3A_166 = tpu.vector_load %arg11[%get3A_164, %get3A_165] {strides = array<i32>} : memref<4x64xi32, #tpu.memory_space<vmem>>, vector<1x16xi32>,
    %get3A_167 = vector.shape_cast %get3A_166 : vector<1x16xi32> to vector<16xi32>
    %convert_element_type3A_168 = arith.sitofp %get3A_167 : vector<16xi32> to vector<16xf32>
    %swap3A_169 = arith.constant 3 : i32
    %swap3A_170 = arith.index_cast %swap3A_169 : i32 to index
    %swap3A_171 = arith.constant 16 : index
    %swap3A_172 = tpu.vector_load %arg10[%swap3A_170, %swap3A_171] {strides = array<i32>} : memref<4x64xf32, #tpu.memory_space<vmem>>, vector<1x16xf32>,
    %swap3A_173 = vector.shape_cast %swap3A_172 : vector<1x16xf32> to vector<16xf32>
    %swap3A_174 = vector.shape_cast %convert_element_type3A_168 : vector<16xf32> to vector<1x16xf32>
    tpu.vector_store %arg10[%swap3A_170, %swap3A_171], %swap3A_174 {strides = array<i32>} : memref<4x64xf32, #tpu.memory_space<vmem>>, vector<1x16xf32>,
    %get3A_175 = arith.constant 3 : i32
    %get3A_176 = arith.index_cast %get3A_175 : i32 to index
    %get3A_177 = arith.constant 32 : index
    %get3A_178 = tpu.vector_load %arg11[%get3A_176, %get3A_177] {strides = array<i32>} : memref<4x64xi32, #tpu.memory_space<vmem>>, vector<1x16xi32>,
    %get3A_179 = vector.shape_cast %get3A_178 : vector<1x16xi32> to vector<16xi32>
    %convert_element_type3A_180 = arith.sitofp %get3A_179 : vector<16xi32> to vector<16xf32>
    %swap3A_181 = arith.constant 3 : i32
    %swap3A_182 = arith.index_cast %swap3A_181 : i32 to index
    %swap3A_183 = arith.constant 32 : index
    %swap3A_184 = tpu.vector_load %arg10[%swap3A_182, %swap3A_183] {strides = array<i32>} : memref<4x64xf32, #tpu.memory_space<vmem>>, vector<1x16xf32>,
    %swap3A_185 = vector.shape_cast %swap3A_184 : vector<1x16xf32> to vector<16xf32>
    %swap3A_186 = vector.shape_cast %convert_element_type3A_180 : vector<16xf32> to vector<1x16xf32>
    tpu.vector_store %arg10[%swap3A_182, %swap3A_183], %swap3A_186 {strides = array<i32>} : memref<4x64xf32, #tpu.memory_space<vmem>>, vector<1x16xf32>,
    %get3A_187 = arith.constant 3 : i32
    %get3A_188 = arith.index_cast %get3A_187 : i32 to index
    %get3A_189 = arith.constant 48 : index
    %get3A_190 = tpu.vector_load %arg11[%get3A_188, %get3A_189] {strides = array<i32>} : memref<4x64xi32, #tpu.memory_space<vmem>>, vector<1x16xi32>,
    %get3A_191 = vector.shape_cast %get3A_190 : vector<1x16xi32> to vector<16xi32>
    %convert_element_type3A_192 = arith.sitofp %get3A_191 : vector<16xi32> to vector<16xf32>
    %swap3A_193 = arith.constant 3 : i32
    %swap3A_194 = arith.index_cast %swap3A_193 : i32 to index
    %swap3A_195 = arith.constant 48 : index
    %swap3A_196 = tpu.vector_load %arg10[%swap3A_194, %swap3A_195] {strides = array<i32>} : memref<4x64xf32, #tpu.memory_space<vmem>>, vector<1x16xf32>,
    %swap3A_197 = vector.shape_cast %swap3A_196 : vector<1x16xf32> to vector<16xf32>
    %swap3A_198 = vector.shape_cast %convert_element_type3A_192 : vector<16xf32> to vector<1x16xf32>
    tpu.vector_store %arg10[%swap3A_194, %swap3A_195], %swap3A_198 {strides = array<i32>} : memref<4x64xf32, #tpu.memory_space<vmem>>, vector<1x16xf32>,
    %parallel_loop3A = arith.constant 0 : i32
    %parallel_loop3A_199 = arith.constant 64 : i32
    %parallel_loop3A_200 = arith.constant 1 : i32
    scf.for %parallel_loop3A_308 = %parallel_loop3A to %parallel_loop3A_199 step %parallel_loop3A_200  : i32 {
      %parallel_loop3A_309 = arith.constant 16 : i32
      %parallel_loop3A_310 = arith.muli %parallel_loop3A_308, %parallel_loop3A_309 : i32
      %parallel_loop3A_311 = arith.constant 1 : i32
      %parallel_loop3A_312 = arith.index_cast %parallel_loop3A_311 : i32 to index
      %parallel_loop3A_313 = arith.index_cast %parallel_loop3A_310 : i32 to index
      %parallel_loop3A_314 = tpu.vector_load %arg12[%parallel_loop3A_312, %parallel_loop3A_313] {strides = array<i32>} : memref<2x1024xf32, #tpu.memory_space<vmem>>, vector<1x16xf32>,
      %parallel_loop3A_315 = vector.shape_cast %parallel_loop3A_314 : vector<1x16xf32> to vector<16xf32>
      %parallel_loop3A_316 = arith.constant 0 : i32
      %parallel_loop3A_317 = arith.index_cast %parallel_loop3A_316 : i32 to index
      %parallel_loop3A_318 = arith.index_cast %parallel_loop3A_310 : i32 to index
      %parallel_loop3A_319 = tpu.vector_load %arg12[%parallel_loop3A_317, %parallel_loop3A_318] {strides = array<i32>} : memref<2x1024xf32, #tpu.memory_space<vmem>>, vector<1x16xf32>,
      %parallel_loop3A_320 = vector.shape_cast %parallel_loop3A_319 : vector<1x16xf32> to vector<16xf32>
      %parallel_loop3A_321 = arith.subf %parallel_loop3A_315, %parallel_loop3A_320 : vector<16xf32>
      %parallel_loop3A_322 = arith.index_cast %parallel_loop3A_310 : i32 to index
      %parallel_loop3A_323 = tpu.vector_load %arg13[%parallel_loop3A_322] {strides = array<i32>} : memref<1024xf32, #tpu.memory_space<vmem>>, vector<16xf32>,
      %parallel_loop3A_324 = vector.shape_cast %parallel_loop3A_323 : vector<16xf32> to vector<16xf32>
      %parallel_loop3A_325 = vector.shape_cast %parallel_loop3A_321 : vector<16xf32> to vector<16xf32>
      tpu.vector_store %arg13[%parallel_loop3A_322], %parallel_loop3A_325 {strides = array<i32>} : memref<1024xf32, #tpu.memory_space<vmem>>, vector<16xf32>,
    } {sc.loop_unroll_factor = 4 : i64, sc.parallel_access}
    %rem3A = arith.constant 0 : i32
    %rem3A_201 = arith.constant 3 : i32
    %rem3A_202 = arith.remsi %rem3A, %rem3A_201 : i32
    %add3A_203 = arith.constant 0 : i32
    %add3A_204 = arith.addi %mul3A_2, %add3A_203 : i32
    %dma_start3A = arith.constant 0 : i32
    %dma_start3A_205 = arith.constant 0 : i32
    %dma_start3A_206 = arith.constant 0 : i32
    %dma_start3A_207 = tpu.memref_slice %arg7[%rem3A_202, %dma_start3A, %dma_start3A_205, %dma_start3A_206] : memref<3x4x4x1024xf32, #tpu.memory_space<vmem>> -> memref<1x4x4x1024xf32, #tpu.memory_space<vmem>>
    %dma_start3A_208 = tpu.memref_squeeze %dma_start3A_207 : memref<1x4x4x1024xf32, #tpu.memory_space<vmem>> -> memref<4x4x1024xf32, #tpu.memory_space<vmem>>
    %dma_start3A_209 = arith.constant 0 : i32
    %dma_start3A_210 = arith.constant 0 : i32
    %dma_start3A_211 = tpu.memref_slice %arg2[%dma_start3A_209, %add3A_204, %dma_start3A_210] : memref<4x2048x1024xf32, #tpu.memory_space<hbm>> -> memref<4x4x1024xf32, #tpu.memory_space<hbm>>
    %dma_start3A_212 = arith.constant 0 : i32
    %dma_start3A_213 = arith.constant 0 : i32
    %dma_start3A_214 = arith.constant 0 : i32
    %dma_start3A_215 = tpu.memref_slice %arg7[%rem3A_202, %dma_start3A_212, %dma_start3A_213, %dma_start3A_214] : memref<3x4x4x1024xf32, #tpu.memory_space<vmem>> -> memref<1x4x4x1024xf32, #tpu.memory_space<vmem>>
    %dma_start3A_216 = tpu.memref_squeeze %dma_start3A_215 : memref<1x4x4x1024xf32, #tpu.memory_space<vmem>> -> memref<4x4x1024xf32, #tpu.memory_space<vmem>>
    %dma_start3A_217 = arith.constant 0 : i32
    %dma_start3A_218 = arith.constant 0 : i32
    %dma_start3A_219 = tpu.memref_slice %arg2[%dma_start3A_217, %add3A_204, %dma_start3A_218] : memref<4x2048x1024xf32, #tpu.memory_space<hbm>> -> memref<4x4x1024xf32, #tpu.memory_space<hbm>>
    tpu.enqueue_dma source(%dma_start3A_219 : memref<4x4x1024xf32, #tpu.memory_space<hbm>>) target(%dma_start3A_216 : memref<4x4x1024xf32, #tpu.memory_space<vmem>>) target_semaphore(%arg14 : memref<!tpu.dma_semaphore, #tpu.memory_space<semaphore_mem>>)
    %dma_start3A_220 = arith.constant 0 : i32
    %dma_start3A_221 = arith.constant 0 : i32
    %dma_start3A_222 = tpu.memref_slice %arg9[%rem3A_202, %dma_start3A_220, %dma_start3A_221] : memref<3x4x1024xf32, #tpu.memory_space<vmem>> -> memref<1x4x1024xf32, #tpu.memory_space<vmem>>
    %dma_start3A_223 = tpu.memref_squeeze %dma_start3A_222 : memref<1x4x1024xf32, #tpu.memory_space<vmem>> -> memref<4x1024xf32, #tpu.memory_space<vmem>>
    %dma_start3A_224 = arith.constant 0 : i32
    %dma_start3A_225 = tpu.memref_slice %arg5[%add3A_204, %dma_start3A_224] : memref<2048x1024xf32, #tpu.memory_space<hbm>> -> memref<4x1024xf32, #tpu.memory_space<hbm>>
    %dma_start3A_226 = arith.constant 0 : i32
    %dma_start3A_227 = arith.constant 0 : i32
    %dma_start3A_228 = tpu.memref_slice %arg9[%rem3A_202, %dma_start3A_226, %dma_start3A_227] : memref<3x4x1024xf32, #tpu.memory_space<vmem>> -> memref<1x4x1024xf32, #tpu.memory_space<vmem>>
    %dma_start3A_229 = tpu.memref_squeeze %dma_start3A_228 : memref<1x4x1024xf32, #tpu.memory_space<vmem>> -> memref<4x1024xf32, #tpu.memory_space<vmem>>
    %dma_start3A_230 = arith.constant 0 : i32
    %dma_start3A_231 = tpu.memref_slice %arg5[%add3A_204, %dma_start3A_230] : memref<2048x1024xf32, #tpu.memory_space<hbm>> -> memref<4x1024xf32, #tpu.memory_space<hbm>>
    tpu.enqueue_dma source(%dma_start3A_231 : memref<4x1024xf32, #tpu.memory_space<hbm>>) target(%dma_start3A_229 : memref<4x1024xf32, #tpu.memory_space<vmem>>) target_semaphore(%arg14 : memref<!tpu.dma_semaphore, #tpu.memory_space<semaphore_mem>>)
    %rem3A_232 = arith.constant 1 : i32
    %rem3A_233 = arith.constant 3 : i32
    %rem3A_234 = arith.remsi %rem3A_232, %rem3A_233 : i32
    %add3A_235 = arith.constant 4 : i32
    %add3A_236 = arith.addi %mul3A_2, %add3A_235 : i32
    %dma_start3A_237 = arith.constant 0 : i32
    %dma_start3A_238 = arith.constant 0 : i32
    %dma_start3A_239 = arith.constant 0 : i32
    %dma_start3A_240 = tpu.memref_slice %arg7[%rem3A_234, %dma_start3A_237, %dma_start3A_238, %dma_start3A_239] : memref<3x4x4x1024xf32, #tpu.memory_space<vmem>> -> memref<1x4x4x1024xf32, #tpu.memory_space<vmem>>
    %dma_start3A_241 = tpu.memref_squeeze %dma_start3A_240 : memref<1x4x4x1024xf32, #tpu.memory_space<vmem>> -> memref<4x4x1024xf32, #tpu.memory_space<vmem>>
    %dma_start3A_242 = arith.constant 0 : i32
    %dma_start3A_243 = arith.constant 0 : i32
    %dma_start3A_244 = tpu.memref_slice %arg2[%dma_start3A_242, %add3A_236, %dma_start3A_243] : memref<4x2048x1024xf32, #tpu.memory_space<hbm>> -> memref<4x4x1024xf32, #tpu.memory_space<hbm>>
    %dma_start3A_245 = arith.constant 0 : i32
    %dma_start3A_246 = arith.constant 0 : i32
    %dma_start3A_247 = arith.constant 0 : i32
    %dma_start3A_248 = tpu.memref_slice %arg7[%rem3A_234, %dma_start3A_245, %dma_start3A_246, %dma_start3A_247] : memref<3x4x4x1024xf32, #tpu.memory_space<vmem>> -> memref<1x4x4x1024xf32, #tpu.memory_space<vmem>>
    %dma_start3A_249 = tpu.memref_squeeze %dma_start3A_248 : memref<1x4x4x1024xf32, #tpu.memory_space<vmem>> -> memref<4x4x1024xf32, #tpu.memory_space<vmem>>
    %dma_start3A_250 = arith.constant 0 : i32
    %dma_start3A_251 = arith.constant 0 : i32
    %dma_start3A_252 = tpu.memref_slice %arg2[%dma_start3A_250, %add3A_236, %dma_start3A_251] : memref<4x2048x1024xf32, #tpu.memory_space<hbm>> -> memref<4x4x1024xf32, #tpu.memory_space<hbm>>
    tpu.enqueue_dma source(%dma_start3A_252 : memref<4x4x1024xf32, #tpu.memory_space<hbm>>) target(%dma_start3A_249 : memref<4x4x1024xf32, #tpu.memory_space<vmem>>) target_semaphore(%arg14 : memref<!tpu.dma_semaphore, #tpu.memory_space<semaphore_mem>>)
    %dma_start3A_253 = arith.constant 0 : i32
    %dma_start3A_254 = arith.constant 0 : i32
    %dma_start3A_255 = tpu.memref_slice %arg9[%rem3A_234, %dma_start3A_253, %dma_start3A_254] : memref<3x4x1024xf32, #tpu.memory_space<vmem>> -> memref<1x4x1024xf32, #tpu.memory_space<vmem>>
    %dma_start3A_256 = tpu.memref_squeeze %dma_start3A_255 : memref<1x4x1024xf32, #tpu.memory_space<vmem>> -> memref<4x1024xf32, #tpu.memory_space<vmem>>
    %dma_start3A_257 = arith.constant 0 : i32
    %dma_start3A_258 = tpu.memref_slice %arg5[%add3A_236, %dma_start3A_257] : memref<2048x1024xf32, #tpu.memory_space<hbm>> -> memref<4x1024xf32, #tpu.memory_space<hbm>>
    %dma_start3A_259 = arith.constant 0 : i32
    %dma_start3A_260 = arith.constant 0 : i32
    %dma_start3A_261 = tpu.memref_slice %arg9[%rem3A_234, %dma_start3A_259, %dma_start3A_260] : memref<3x4x1024xf32, #tpu.memory_space<vmem>> -> memref<1x4x1024xf32, #tpu.memory_space<vmem>>
    %dma_start3A_262 = tpu.memref_squeeze %dma_start3A_261 : memref<1x4x1024xf32, #tpu.memory_space<vmem>> -> memref<4x1024xf32, #tpu.memory_space<vmem>>
    %dma_start3A_263 = arith.constant 0 : i32
    %dma_start3A_264 = tpu.memref_slice %arg5[%add3A_236, %dma_start3A_263] : memref<2048x1024xf32, #tpu.memory_space<hbm>> -> memref<4x1024xf32, #tpu.memory_space<hbm>>
    tpu.enqueue_dma source(%dma_start3A_264 : memref<4x1024xf32, #tpu.memory_space<hbm>>) target(%dma_start3A_262 : memref<4x1024xf32, #tpu.memory_space<vmem>>) target_semaphore(%arg14 : memref<!tpu.dma_semaphore, #tpu.memory_space<semaphore_mem>>)
    %scan3A = arith.constant 0 : i32
    %scan3A_265 = arith.constant 0 : i32
    %scan3A_266 = arith.constant 16 : i32
    %scan3A_267 = arith.addi %scan3A_265, %scan3A_266 : i32
    %scan3A_268 = arith.constant 1 : i32
    %scan3A_269 = scf.for %scan3A_308 = %scan3A_265 to %scan3A_267 step %scan3A_268 iter_args(%scan3A_309 = %scan3A) -> (i32)  : i32 {
      %rem3A_310 = arith.constant 3 : i32
      %rem3A_311 = arith.remsi %scan3A_308, %rem3A_310 : i32
      %rem3A_312 = arith.constant 2 : i32
      %rem3A_313 = arith.remsi %scan3A_308, %rem3A_312 : i32
      %add3A_314 = arith.constant 2 : i32
      %add3A_315 = arith.addi %scan3A_308, %add3A_314 : i32
      %lt3A = arith.constant 16 : i32
      %lt3A_316 = arith.cmpi slt, %add3A_315, %lt3A : i32
      %convert_element_type3A_317 = arith.extui %lt3A_316 : i1 to i32
      %cond3A = arith.constant 0 : i32
      %cond3A_318 = arith.cmpi ne, %convert_element_type3A_317, %cond3A : i32
      scf.if %cond3A_318 {
        %add3A_425 = arith.constant 2 : i32
        %add3A_426 = arith.addi %scan3A_308, %add3A_425 : i32
        %rem3A_427 = arith.constant 3 : i32
        %rem3A_428 = arith.remsi %add3A_426, %rem3A_427 : i32
        %mul3A_429 = arith.constant 4 : i32
        %mul3A_430 = arith.muli %add3A_426, %mul3A_429 : i32
        %add3A_431 = arith.addi %mul3A_2, %mul3A_430 : i32
        %dma_start3A_432 = arith.constant 0 : i32
        %dma_start3A_433 = arith.constant 0 : i32
        %dma_start3A_434 = arith.constant 0 : i32
        %dma_start3A_435 = tpu.memref_slice %arg7[%rem3A_428, %dma_start3A_432, %dma_start3A_433, %dma_start3A_434] : memref<3x4x4x1024xf32, #tpu.memory_space<vmem>> -> memref<1x4x4x1024xf32, #tpu.memory_space<vmem>>
        %dma_start3A_436 = tpu.memref_squeeze %dma_start3A_435 : memref<1x4x4x1024xf32, #tpu.memory_space<vmem>> -> memref<4x4x1024xf32, #tpu.memory_space<vmem>>
        %dma_start3A_437 = arith.constant 0 : i32
        %dma_start3A_438 = arith.constant 0 : i32
        %dma_start3A_439 = tpu.memref_slice %arg2[%dma_start3A_437, %add3A_431, %dma_start3A_438] : memref<4x2048x1024xf32, #tpu.memory_space<hbm>> -> memref<4x4x1024xf32, #tpu.memory_space<hbm>>
        %dma_start3A_440 = arith.constant 0 : i32
        %dma_start3A_441 = arith.constant 0 : i32
        %dma_start3A_442 = arith.constant 0 : i32
        %dma_start3A_443 = tpu.memref_slice %arg7[%rem3A_428, %dma_start3A_440, %dma_start3A_441, %dma_start3A_442] : memref<3x4x4x1024xf32, #tpu.memory_space<vmem>> -> memref<1x4x4x1024xf32, #tpu.memory_space<vmem>>
        %dma_start3A_444 = tpu.memref_squeeze %dma_start3A_443 : memref<1x4x4x1024xf32, #tpu.memory_space<vmem>> -> memref<4x4x1024xf32, #tpu.memory_space<vmem>>
        %dma_start3A_445 = arith.constant 0 : i32
        %dma_start3A_446 = arith.constant 0 : i32
        %dma_start3A_447 = tpu.memref_slice %arg2[%dma_start3A_445, %add3A_431, %dma_start3A_446] : memref<4x2048x1024xf32, #tpu.memory_space<hbm>> -> memref<4x4x1024xf32, #tpu.memory_space<hbm>>
        tpu.enqueue_dma source(%dma_start3A_447 : memref<4x4x1024xf32, #tpu.memory_space<hbm>>) target(%dma_start3A_444 : memref<4x4x1024xf32, #tpu.memory_space<vmem>>) target_semaphore(%arg14 : memref<!tpu.dma_semaphore, #tpu.memory_space<semaphore_mem>>)
        %dma_start3A_448 = arith.constant 0 : i32
        %dma_start3A_449 = arith.constant 0 : i32
        %dma_start3A_450 = tpu.memref_slice %arg9[%rem3A_428, %dma_start3A_448, %dma_start3A_449] : memref<3x4x1024xf32, #tpu.memory_space<vmem>> -> memref<1x4x1024xf32, #tpu.memory_space<vmem>>
        %dma_start3A_451 = tpu.memref_squeeze %dma_start3A_450 : memref<1x4x1024xf32, #tpu.memory_space<vmem>> -> memref<4x1024xf32, #tpu.memory_space<vmem>>
        %dma_start3A_452 = arith.constant 0 : i32
        %dma_start3A_453 = tpu.memref_slice %arg5[%add3A_431, %dma_start3A_452] : memref<2048x1024xf32, #tpu.memory_space<hbm>> -> memref<4x1024xf32, #tpu.memory_space<hbm>>
        %dma_start3A_454 = arith.constant 0 : i32
        %dma_start3A_455 = arith.constant 0 : i32
        %dma_start3A_456 = tpu.memref_slice %arg9[%rem3A_428, %dma_start3A_454, %dma_start3A_455] : memref<3x4x1024xf32, #tpu.memory_space<vmem>> -> memref<1x4x1024xf32, #tpu.memory_space<vmem>>
        %dma_start3A_457 = tpu.memref_squeeze %dma_start3A_456 : memref<1x4x1024xf32, #tpu.memory_space<vmem>> -> memref<4x1024xf32, #tpu.memory_space<vmem>>
        %dma_start3A_458 = arith.constant 0 : i32
        %dma_start3A_459 = tpu.memref_slice %arg5[%add3A_431, %dma_start3A_458] : memref<2048x1024xf32, #tpu.memory_space<hbm>> -> memref<4x1024xf32, #tpu.memory_space<hbm>>
        tpu.enqueue_dma source(%dma_start3A_459 : memref<4x1024xf32, #tpu.memory_space<hbm>>) target(%dma_start3A_457 : memref<4x1024xf32, #tpu.memory_space<vmem>>) target_semaphore(%arg14 : memref<!tpu.dma_semaphore, #tpu.memory_space<semaphore_mem>>)
      } else {
      }
      %ge3A = arith.constant 2 : i32
      %ge3A_319 = arith.cmpi sge, %scan3A_308, %ge3A : i32
      %convert_element_type3A_320 = arith.extui %ge3A_319 : i1 to i32
      %cond3A_321 = arith.constant 0 : i32
      %cond3A_322 = arith.cmpi ne, %convert_element_type3A_320, %cond3A_321 : i32
      scf.if %cond3A_322 {
        %dma_wait3A_425 = arith.constant 0 : i32
        %dma_wait3A_426 = arith.constant 0 : i32
        %dma_wait3A_427 = arith.constant 0 : i32
        %dma_wait3A_428 = arith.constant 0 : i32
        %dma_wait3A_429 = tpu.memref_slice %arg8[%dma_wait3A_425, %dma_wait3A_426, %dma_wait3A_427, %dma_wait3A_428] : memref<2x4x4x1024xf32, #tpu.memory_space<vmem>> -> memref<1x4x4x1024xf32, #tpu.memory_space<vmem>>
        %dma_wait3A_430 = tpu.memref_squeeze %dma_wait3A_429 : memref<1x4x4x1024xf32, #tpu.memory_space<vmem>> -> memref<4x4x1024xf32, #tpu.memory_space<vmem>>
        %dma_wait3A_431 = arith.constant 0 : i32
        %dma_wait3A_432 = arith.constant 0 : i32
        %dma_wait3A_433 = arith.constant 0 : i32
        %dma_wait3A_434 = tpu.memref_slice %arg6[%dma_wait3A_431, %dma_wait3A_432, %dma_wait3A_433] : memref<4x2048x1024xf32, #tpu.memory_space<hbm>> -> memref<4x4x1024xf32, #tpu.memory_space<hbm>>
        %dma_wait3A_435 = arith.constant 0 : i32
        %dma_wait3A_436 = arith.constant 0 : i32
        %dma_wait3A_437 = arith.constant 0 : i32
        %dma_wait3A_438 = tpu.memref_slice %arg6[%dma_wait3A_435, %dma_wait3A_436, %dma_wait3A_437] : memref<4x2048x1024xf32, #tpu.memory_space<hbm>> -> memref<4x4x1024xf32, #tpu.memory_space<hbm>>
        %dma_wait3A_439 = arith.constant 0 : i32
        %dma_wait3A_440 = arith.constant 0 : i32
        %dma_wait3A_441 = arith.constant 0 : i32
        %dma_wait3A_442 = tpu.memref_slice %arg8[%dma_wait3A_425, %dma_wait3A_439, %dma_wait3A_440, %dma_wait3A_441] : memref<2x4x4x1024xf32, #tpu.memory_space<vmem>> -> memref<1x4x4x1024xf32, #tpu.memory_space<vmem>>
        %dma_wait3A_443 = tpu.memref_squeeze %dma_wait3A_442 : memref<1x4x4x1024xf32, #tpu.memory_space<vmem>> -> memref<4x4x1024xf32, #tpu.memory_space<vmem>>
        tpu.wait_dma2 semaphore(%arg15 : memref<!tpu.dma_semaphore, #tpu.memory_space<semaphore_mem>>) src(%dma_wait3A_443 : memref<4x4x1024xf32, #tpu.memory_space<vmem>>) dst(%dma_wait3A_438 : memref<4x4x1024xf32, #tpu.memory_space<hbm>>)
      } else {
      }
      %dma_wait3A_323 = arith.constant 0 : i32
      %dma_wait3A_324 = arith.constant 0 : i32
      %dma_wait3A_325 = arith.constant 0 : i32
      %dma_wait3A_326 = arith.constant 0 : i32
      %dma_wait3A_327 = tpu.memref_slice %arg7[%dma_wait3A_323, %dma_wait3A_324, %dma_wait3A_325, %dma_wait3A_326] : memref<3x4x4x1024xf32, #tpu.memory_space<vmem>> -> memref<1x4x4x1024xf32, #tpu.memory_space<vmem>>
      %dma_wait3A_328 = tpu.memref_squeeze %dma_wait3A_327 : memref<1x4x4x1024xf32, #tpu.memory_space<vmem>> -> memref<4x4x1024xf32, #tpu.memory_space<vmem>>
      %dma_wait3A_329 = arith.constant 0 : i32
      %dma_wait3A_330 = arith.constant 0 : i32
      %dma_wait3A_331 = arith.constant 0 : i32
      %dma_wait3A_332 = tpu.memref_slice %arg2[%dma_wait3A_329, %dma_wait3A_330, %dma_wait3A_331] : memref<4x2048x1024xf32, #tpu.memory_space<hbm>> -> memref<4x4x1024xf32, #tpu.memory_space<hbm>>
      %dma_wait3A_333 = arith.constant 0 : i32
      %dma_wait3A_334 = arith.constant 0 : i32
      %dma_wait3A_335 = arith.constant 0 : i32
      %dma_wait3A_336 = tpu.memref_slice %arg7[%dma_wait3A_323, %dma_wait3A_333, %dma_wait3A_334, %dma_wait3A_335] : memref<3x4x4x1024xf32, #tpu.memory_space<vmem>> -> memref<1x4x4x1024xf32, #tpu.memory_space<vmem>>
      %dma_wait3A_337 = tpu.memref_squeeze %dma_wait3A_336 : memref<1x4x4x1024xf32, #tpu.memory_space<vmem>> -> memref<4x4x1024xf32, #tpu.memory_space<vmem>>
      %dma_wait3A_338 = arith.constant 0 : i32
      %dma_wait3A_339 = arith.constant 0 : i32
      %dma_wait3A_340 = arith.constant 0 : i32
      %dma_wait3A_341 = tpu.memref_slice %arg2[%dma_wait3A_338, %dma_wait3A_339, %dma_wait3A_340] : memref<4x2048x1024xf32, #tpu.memory_space<hbm>> -> memref<4x4x1024xf32, #tpu.memory_space<hbm>>
      tpu.wait_dma2 semaphore(%arg14 : memref<!tpu.dma_semaphore, #tpu.memory_space<semaphore_mem>>) src(%dma_wait3A_341 : memref<4x4x1024xf32, #tpu.memory_space<hbm>>) dst(%dma_wait3A_337 : memref<4x4x1024xf32, #tpu.memory_space<vmem>>)
      %dma_wait3A_342 = arith.constant 0 : i32
      %dma_wait3A_343 = arith.constant 0 : i32
      %dma_wait3A_344 = arith.constant 0 : i32
      %dma_wait3A_345 = tpu.memref_slice %arg9[%dma_wait3A_342, %dma_wait3A_343, %dma_wait3A_344] : memref<3x4x1024xf32, #tpu.memory_space<vmem>> -> memref<1x4x1024xf32, #tpu.memory_space<vmem>>
      %dma_wait3A_346 = tpu.memref_squeeze %dma_wait3A_345 : memref<1x4x1024xf32, #tpu.memory_space<vmem>> -> memref<4x1024xf32, #tpu.memory_space<vmem>>
      %dma_wait3A_347 = arith.constant 0 : i32
      %dma_wait3A_348 = arith.constant 0 : i32
      %dma_wait3A_349 = tpu.memref_slice %arg5[%dma_wait3A_347, %dma_wait3A_348] : memref<2048x1024xf32, #tpu.memory_space<hbm>> -> memref<4x1024xf32, #tpu.memory_space<hbm>>
      %dma_wait3A_350 = arith.constant 0 : i32
      %dma_wait3A_351 = arith.constant 0 : i32
      %dma_wait3A_352 = tpu.memref_slice %arg9[%dma_wait3A_342, %dma_wait3A_350, %dma_wait3A_351] : memref<3x4x1024xf32, #tpu.memory_space<vmem>> -> memref<1x4x1024xf32, #tpu.memory_space<vmem>>
      %dma_wait3A_353 = tpu.memref_squeeze %dma_wait3A_352 : memref<1x4x1024xf32, #tpu.memory_space<vmem>> -> memref<4x1024xf32, #tpu.memory_space<vmem>>
      %dma_wait3A_354 = arith.constant 0 : i32
      %dma_wait3A_355 = arith.constant 0 : i32
      %dma_wait3A_356 = tpu.memref_slice %arg5[%dma_wait3A_354, %dma_wait3A_355] : memref<2048x1024xf32, #tpu.memory_space<hbm>> -> memref<4x1024xf32, #tpu.memory_space<hbm>>
      tpu.wait_dma2 semaphore(%arg14 : memref<!tpu.dma_semaphore, #tpu.memory_space<semaphore_mem>>) src(%dma_wait3A_356 : memref<4x1024xf32, #tpu.memory_space<hbm>>) dst(%dma_wait3A_353 : memref<4x1024xf32, #tpu.memory_space<vmem>>)
      %jit3A = arith.constant 4 : i32
      %div3A = arith.divsi %scan3A_308, %jit3A : i32
      %sign3A = arith.constant 0 : i32
      %sign3A_357 = arith.cmpi sgt, %scan3A_308, %sign3A : i32
      %sign3A_358 = arith.extui %sign3A_357 : i1 to i32
      %sign3A_359 = arith.constant 0 : i32
      %sign3A_360 = arith.cmpi slt, %scan3A_308, %sign3A_359 : i32
      %sign3A_361 = arith.extui %sign3A_360 : i1 to i32
      %sign3A_362 = arith.subi %sign3A_358, %sign3A_361 : i32
      %sign3A_363 = arith.constant 0 : i32
      %sign3A_364 = arith.cmpi sgt, %jit3A, %sign3A_363 : i32
      %sign3A_365 = arith.extui %sign3A_364 : i1 to i32
      %sign3A_366 = arith.constant 0 : i32
      %sign3A_367 = arith.cmpi slt, %jit3A, %sign3A_366 : i32
      %sign3A_368 = arith.extui %sign3A_367 : i1 to i32
      %sign3A_369 = arith.subi %sign3A_365, %sign3A_368 : i32
      %ne3A = arith.cmpi ne, %sign3A_362, %sign3A_369 : i32
      %rem3A_370 = arith.remsi %scan3A_308, %jit3A : i32
      %ne3A_371 = arith.constant 0 : i32
      %ne3A_372 = arith.cmpi ne, %rem3A_370, %ne3A_371 : i32
      %and3A = arith.andi %ne3A, %ne3A_372 : i1
      %sub3A = arith.constant 1 : i32
      %sub3A_373 = arith.subi %div3A, %sub3A : i32
      %select_n3A = arith.select %and3A, %sub3A_373, %div3A : i32
      %mul3A_374 = arith.constant 16 : i32
      %mul3A_375 = arith.muli %select_n3A, %mul3A_374 : i32
      %rem3A_376 = arith.constant 4 : i32
      %rem3A_377 = arith.remsi %scan3A_308, %rem3A_376 : i32
      %mul3A_378 = arith.constant 4 : i32
      %mul3A_379 = arith.muli %rem3A_377, %mul3A_378 : i32
      %get3A_380 = arith.constant 0 : i32
      %get3A_381 = arith.index_cast %get3A_380 : i32 to index
      %get3A_382 = arith.index_cast %mul3A_375 : i32 to index
      %get3A_383 = tpu.vector_load %arg10[%get3A_381, %get3A_382] {strides = array<i32>} : memref<4x64xf32, #tpu.memory_space<vmem>>, vector<1x16xf32>,
      %get3A_384 = vector.shape_cast %get3A_383 : vector<1x16xf32> to vector<16xf32>
      %get3A_385 = arith.constant 1 : i32
      %get3A_386 = arith.index_cast %get3A_385 : i32 to index
      %get3A_387 = arith.index_cast %mul3A_375 : i32 to index
      %get3A_388 = tpu.vector_load %arg10[%get3A_386, %get3A_387] {strides = array<i32>} : memref<4x64xf32, #tpu.memory_space<vmem>>, vector<1x16xf32>,
      %get3A_389 = vector.shape_cast %get3A_388 : vector<1x16xf32> to vector<16xf32>
      %get3A_390 = arith.constant 2 : i32
      %get3A_391 = arith.index_cast %get3A_390 : i32 to index
      %get3A_392 = arith.index_cast %mul3A_375 : i32 to index
      %get3A_393 = tpu.vector_load %arg10[%get3A_391, %get3A_392] {strides = array<i32>} : memref<4x64xf32, #tpu.memory_space<vmem>>, vector<1x16xf32>,
      %get3A_394 = vector.shape_cast %get3A_393 : vector<1x16xf32> to vector<16xf32>
      %get3A_395 = arith.constant 3 : i32
      %get3A_396 = arith.index_cast %get3A_395 : i32 to index
      %get3A_397 = arith.index_cast %mul3A_375 : i32 to index
      %get3A_398 = tpu.vector_load %arg10[%get3A_396, %get3A_397] {strides = array<i32>} : memref<4x64xf32, #tpu.memory_space<vmem>>, vector<1x16xf32>,
      %get3A_399 = vector.shape_cast %get3A_398 : vector<1x16xf32> to vector<16xf32>
      %parallel_loop3A_400 = arith.constant 0 : i32
      %parallel_loop3A_401 = arith.constant 256 : i32
      %parallel_loop3A_402 = arith.constant 1 : i32
      scf.for %parallel_loop3A_425 = %parallel_loop3A_400 to %parallel_loop3A_401 step %parallel_loop3A_402  : i32 {
        %parallel_loop3A_426 = arith.constant 64 : i32
        %parallel_loop3A_427 = arith.divsi %parallel_loop3A_425, %parallel_loop3A_426 : i32
        %parallel_loop3A_428 = arith.constant 0 : i32
        %parallel_loop3A_429 = arith.cmpi sgt, %parallel_loop3A_425, %parallel_loop3A_428 : i32
        %parallel_loop3A_430 = arith.extui %parallel_loop3A_429 : i1 to i32
        %parallel_loop3A_431 = arith.constant 0 : i32
        %parallel_loop3A_432 = arith.cmpi slt, %parallel_loop3A_425, %parallel_loop3A_431 : i32
        %parallel_loop3A_433 = arith.extui %parallel_loop3A_432 : i1 to i32
        %parallel_loop3A_434 = arith.subi %parallel_loop3A_430, %parallel_loop3A_433 : i32
        %parallel_loop3A_435 = arith.constant 0 : i32
        %parallel_loop3A_436 = arith.cmpi sgt, %parallel_loop3A_426, %parallel_loop3A_435 : i32
        %parallel_loop3A_437 = arith.extui %parallel_loop3A_436 : i1 to i32
        %parallel_loop3A_438 = arith.constant 0 : i32
        %parallel_loop3A_439 = arith.cmpi slt, %parallel_loop3A_426, %parallel_loop3A_438 : i32
        %parallel_loop3A_440 = arith.extui %parallel_loop3A_439 : i1 to i32
        %parallel_loop3A_441 = arith.subi %parallel_loop3A_437, %parallel_loop3A_440 : i32
        %parallel_loop3A_442 = arith.cmpi ne, %parallel_loop3A_434, %parallel_loop3A_441 : i32
        %parallel_loop3A_443 = arith.remsi %parallel_loop3A_425, %parallel_loop3A_426 : i32
        %parallel_loop3A_444 = arith.constant 0 : i32
        %parallel_loop3A_445 = arith.cmpi ne, %parallel_loop3A_443, %parallel_loop3A_444 : i32
        %parallel_loop3A_446 = arith.andi %parallel_loop3A_442, %parallel_loop3A_445 : i1
        %parallel_loop3A_447 = arith.constant 1 : i32
        %parallel_loop3A_448 = arith.subi %parallel_loop3A_427, %parallel_loop3A_447 : i32
        %parallel_loop3A_449 = arith.select %parallel_loop3A_446, %parallel_loop3A_448, %parallel_loop3A_427 : i32
        %parallel_loop3A_450 = arith.constant 64 : i32
        %parallel_loop3A_451 = arith.remsi %parallel_loop3A_425, %parallel_loop3A_450 : i32
        %parallel_loop3A_452 = arith.constant 16 : i32
        %parallel_loop3A_453 = arith.muli %parallel_loop3A_451, %parallel_loop3A_452 : i32
        %parallel_loop3A_454 = arith.index_cast %rem3A_311 : i32 to index
        %parallel_loop3A_455 = arith.index_cast %parallel_loop3A_449 : i32 to index
        %parallel_loop3A_456 = arith.index_cast %parallel_loop3A_453 : i32 to index
        %parallel_loop3A_457 = tpu.vector_load %arg9[%parallel_loop3A_454, %parallel_loop3A_455, %parallel_loop3A_456] {strides = array<i32>} : memref<3x4x1024xf32, #tpu.memory_space<vmem>>, vector<1x1x16xf32>,
        %parallel_loop3A_458 = vector.shape_cast %parallel_loop3A_457 : vector<1x1x16xf32> to vector<16xf32>
        %parallel_loop3A_459 = arith.constant 0 : i32
        %parallel_loop3A_460 = arith.index_cast %parallel_loop3A_459 : i32 to index
        %parallel_loop3A_461 = arith.index_cast %parallel_loop3A_453 : i32 to index
        %parallel_loop3A_462 = tpu.vector_load %arg12[%parallel_loop3A_460, %parallel_loop3A_461] {strides = array<i32>} : memref<2x1024xf32, #tpu.memory_space<vmem>>, vector<1x16xf32>,
        %parallel_loop3A_463 = vector.shape_cast %parallel_loop3A_462 : vector<1x16xf32> to vector<16xf32>
        %parallel_loop3A_464 = arith.addf %parallel_loop3A_458, %parallel_loop3A_463 : vector<16xf32>
        %parallel_loop3A_465 = arith.index_cast %parallel_loop3A_453 : i32 to index
        %parallel_loop3A_466 = tpu.vector_load %arg13[%parallel_loop3A_465] {strides = array<i32>} : memref<1024xf32, #tpu.memory_space<vmem>>, vector<16xf32>,
        %parallel_loop3A_467 = vector.shape_cast %parallel_loop3A_466 : vector<16xf32> to vector<16xf32>
        %parallel_loop3A_468 = arith.addi %mul3A_379, %parallel_loop3A_449 : i32
        %parallel_loop3A_469 = vector.broadcast %parallel_loop3A_468 : i32 to vector<16x1xi32>
        %parallel_loop3A_470 = vector.shape_cast %parallel_loop3A_469 : vector<16x1xi32> to vector<16xi32>
        %parallel_loop3A_471 = tpu.dynamic_gather %get3A_384[%parallel_loop3A_470] in [0] : vector<16xf32>, vector<16xi32> -> vector<16xf32>
        %parallel_loop3A_472 = arith.constant 0 : i32
        %parallel_loop3A_473 = arith.index_cast %rem3A_311 : i32 to index
        %parallel_loop3A_474 = arith.index_cast %parallel_loop3A_472 : i32 to index
        %parallel_loop3A_475 = arith.index_cast %parallel_loop3A_449 : i32 to index
        %parallel_loop3A_476 = arith.index_cast %parallel_loop3A_453 : i32 to index
        %parallel_loop3A_477 = tpu.vector_load %arg7[%parallel_loop3A_473, %parallel_loop3A_474, %parallel_loop3A_475, %parallel_loop3A_476] {strides = array<i32>} : memref<3x4x4x1024xf32, #tpu.memory_space<vmem>>, vector<1x1x1x16xf32>,
        %parallel_loop3A_478 = vector.shape_cast %parallel_loop3A_477 : vector<1x1x1x16xf32> to vector<16xf32>
        %parallel_loop3A_479 = arith.addf %parallel_loop3A_478, %parallel_loop3A_464 : vector<16xf32>
        %parallel_loop3A_480 = arith.mulf %parallel_loop3A_471, %parallel_loop3A_467 : vector<16xf32>
        %parallel_loop3A_481 = arith.addf %parallel_loop3A_479, %parallel_loop3A_480 : vector<16xf32>
        %parallel_loop3A_482 = arith.constant 0 : i32
        %parallel_loop3A_483 = arith.index_cast %rem3A_313 : i32 to index
        %parallel_loop3A_484 = arith.index_cast %parallel_loop3A_482 : i32 to index
        %parallel_loop3A_485 = arith.index_cast %parallel_loop3A_449 : i32 to index
        %parallel_loop3A_486 = arith.index_cast %parallel_loop3A_453 : i32 to index
        %parallel_loop3A_487 = tpu.vector_load %arg8[%parallel_loop3A_483, %parallel_loop3A_484, %parallel_loop3A_485, %parallel_loop3A_486] {strides = array<i32>} : memref<2x4x4x1024xf32, #tpu.memory_space<vmem>>, vector<1x1x1x16xf32>,
        %parallel_loop3A_488 = vector.shape_cast %parallel_loop3A_487 : vector<1x1x1x16xf32> to vector<16xf32>
        %parallel_loop3A_489 = vector.shape_cast %parallel_loop3A_481 : vector<16xf32> to vector<1x1x1x16xf32>
        tpu.vector_store %arg8[%parallel_loop3A_483, %parallel_loop3A_484, %parallel_loop3A_485, %parallel_loop3A_486], %parallel_loop3A_489 {strides = array<i32>} : memref<2x4x4x1024xf32, #tpu.memory_space<vmem>>, vector<1x1x1x16xf32>,
        %parallel_loop3A_490 = arith.addi %mul3A_379, %parallel_loop3A_449 : i32
        %parallel_loop3A_491 = vector.broadcast %parallel_loop3A_490 : i32 to vector<16x1xi32>
        %parallel_loop3A_492 = vector.shape_cast %parallel_loop3A_491 : vector<16x1xi32> to vector<16xi32>
        %parallel_loop3A_493 = tpu.dynamic_gather %get3A_389[%parallel_loop3A_492] in [0] : vector<16xf32>, vector<16xi32> -> vector<16xf32>
        %parallel_loop3A_494 = arith.constant 1 : i32
        %parallel_loop3A_495 = arith.index_cast %rem3A_311 : i32 to index
        %parallel_loop3A_496 = arith.index_cast %parallel_loop3A_494 : i32 to index
        %parallel_loop3A_497 = arith.index_cast %parallel_loop3A_449 : i32 to index
        %parallel_loop3A_498 = arith.index_cast %parallel_loop3A_453 : i32 to index
        %parallel_loop3A_499 = tpu.vector_load %arg7[%parallel_loop3A_495, %parallel_loop3A_496, %parallel_loop3A_497, %parallel_loop3A_498] {strides = array<i32>} : memref<3x4x4x1024xf32, #tpu.memory_space<vmem>>, vector<1x1x1x16xf32>,
        %parallel_loop3A_500 = vector.shape_cast %parallel_loop3A_499 : vector<1x1x1x16xf32> to vector<16xf32>
        %parallel_loop3A_501 = arith.addf %parallel_loop3A_500, %parallel_loop3A_464 : vector<16xf32>
        %parallel_loop3A_502 = arith.mulf %parallel_loop3A_493, %parallel_loop3A_467 : vector<16xf32>
        %parallel_loop3A_503 = arith.addf %parallel_loop3A_501, %parallel_loop3A_502 : vector<16xf32>
        %parallel_loop3A_504 = arith.constant 1 : i32
        %parallel_loop3A_505 = arith.index_cast %rem3A_313 : i32 to index
        %parallel_loop3A_506 = arith.index_cast %parallel_loop3A_504 : i32 to index
        %parallel_loop3A_507 = arith.index_cast %parallel_loop3A_449 : i32 to index
        %parallel_loop3A_508 = arith.index_cast %parallel_loop3A_453 : i32 to index
        %parallel_loop3A_509 = tpu.vector_load %arg8[%parallel_loop3A_505, %parallel_loop3A_506, %parallel_loop3A_507, %parallel_loop3A_508] {strides = array<i32>} : memref<2x4x4x1024xf32, #tpu.memory_space<vmem>>, vector<1x1x1x16xf32>,
        %parallel_loop3A_510 = vector.shape_cast %parallel_loop3A_509 : vector<1x1x1x16xf32> to vector<16xf32>
        %parallel_loop3A_511 = vector.shape_cast %parallel_loop3A_503 : vector<16xf32> to vector<1x1x1x16xf32>
        tpu.vector_store %arg8[%parallel_loop3A_505, %parallel_loop3A_506, %parallel_loop3A_507, %parallel_loop3A_508], %parallel_loop3A_511 {strides = array<i32>} : memref<2x4x4x1024xf32, #tpu.memory_space<vmem>>, vector<1x1x1x16xf32>,
        %parallel_loop3A_512 = arith.addi %mul3A_379, %parallel_loop3A_449 : i32
        %parallel_loop3A_513 = vector.broadcast %parallel_loop3A_512 : i32 to vector<16x1xi32>
        %parallel_loop3A_514 = vector.shape_cast %parallel_loop3A_513 : vector<16x1xi32> to vector<16xi32>
        %parallel_loop3A_515 = tpu.dynamic_gather %get3A_394[%parallel_loop3A_514] in [0] : vector<16xf32>, vector<16xi32> -> vector<16xf32>
        %parallel_loop3A_516 = arith.constant 2 : i32
        %parallel_loop3A_517 = arith.index_cast %rem3A_311 : i32 to index
        %parallel_loop3A_518 = arith.index_cast %parallel_loop3A_516 : i32 to index
        %parallel_loop3A_519 = arith.index_cast %parallel_loop3A_449 : i32 to index
        %parallel_loop3A_520 = arith.index_cast %parallel_loop3A_453 : i32 to index
        %parallel_loop3A_521 = tpu.vector_load %arg7[%parallel_loop3A_517, %parallel_loop3A_518, %parallel_loop3A_519, %parallel_loop3A_520] {strides = array<i32>} : memref<3x4x4x1024xf32, #tpu.memory_space<vmem>>, vector<1x1x1x16xf32>,
        %parallel_loop3A_522 = vector.shape_cast %parallel_loop3A_521 : vector<1x1x1x16xf32> to vector<16xf32>
        %parallel_loop3A_523 = arith.addf %parallel_loop3A_522, %parallel_loop3A_464 : vector<16xf32>
        %parallel_loop3A_524 = arith.mulf %parallel_loop3A_515, %parallel_loop3A_467 : vector<16xf32>
        %parallel_loop3A_525 = arith.addf %parallel_loop3A_523, %parallel_loop3A_524 : vector<16xf32>
        %parallel_loop3A_526 = arith.constant 2 : i32
        %parallel_loop3A_527 = arith.index_cast %rem3A_313 : i32 to index
        %parallel_loop3A_528 = arith.index_cast %parallel_loop3A_526 : i32 to index
        %parallel_loop3A_529 = arith.index_cast %parallel_loop3A_449 : i32 to index
        %parallel_loop3A_530 = arith.index_cast %parallel_loop3A_453 : i32 to index
        %parallel_loop3A_531 = tpu.vector_load %arg8[%parallel_loop3A_527, %parallel_loop3A_528, %parallel_loop3A_529, %parallel_loop3A_530] {strides = array<i32>} : memref<2x4x4x1024xf32, #tpu.memory_space<vmem>>, vector<1x1x1x16xf32>,
        %parallel_loop3A_532 = vector.shape_cast %parallel_loop3A_531 : vector<1x1x1x16xf32> to vector<16xf32>
        %parallel_loop3A_533 = vector.shape_cast %parallel_loop3A_525 : vector<16xf32> to vector<1x1x1x16xf32>
        tpu.vector_store %arg8[%parallel_loop3A_527, %parallel_loop3A_528, %parallel_loop3A_529, %parallel_loop3A_530], %parallel_loop3A_533 {strides = array<i32>} : memref<2x4x4x1024xf32, #tpu.memory_space<vmem>>, vector<1x1x1x16xf32>,
        %parallel_loop3A_534 = arith.addi %mul3A_379, %parallel_loop3A_449 : i32
        %parallel_loop3A_535 = vector.broadcast %parallel_loop3A_534 : i32 to vector<16x1xi32>
        %parallel_loop3A_536 = vector.shape_cast %parallel_loop3A_535 : vector<16x1xi32> to vector<16xi32>
        %parallel_loop3A_537 = tpu.dynamic_gather %get3A_399[%parallel_loop3A_536] in [0] : vector<16xf32>, vector<16xi32> -> vector<16xf32>
        %parallel_loop3A_538 = arith.constant 3 : i32
        %parallel_loop3A_539 = arith.index_cast %rem3A_311 : i32 to index
        %parallel_loop3A_540 = arith.index_cast %parallel_loop3A_538 : i32 to index
        %parallel_loop3A_541 = arith.index_cast %parallel_loop3A_449 : i32 to index
        %parallel_loop3A_542 = arith.index_cast %parallel_loop3A_453 : i32 to index
        %parallel_loop3A_543 = tpu.vector_load %arg7[%parallel_loop3A_539, %parallel_loop3A_540, %parallel_loop3A_541, %parallel_loop3A_542] {strides = array<i32>} : memref<3x4x4x1024xf32, #tpu.memory_space<vmem>>, vector<1x1x1x16xf32>,
        %parallel_loop3A_544 = vector.shape_cast %parallel_loop3A_543 : vector<1x1x1x16xf32> to vector<16xf32>
        %parallel_loop3A_545 = arith.addf %parallel_loop3A_544, %parallel_loop3A_464 : vector<16xf32>
        %parallel_loop3A_546 = arith.mulf %parallel_loop3A_537, %parallel_loop3A_467 : vector<16xf32>
        %parallel_loop3A_547 = arith.addf %parallel_loop3A_545, %parallel_loop3A_546 : vector<16xf32>
        %parallel_loop3A_548 = arith.constant 3 : i32
        %parallel_loop3A_549 = arith.index_cast %rem3A_313 : i32 to index
        %parallel_loop3A_550 = arith.index_cast %parallel_loop3A_548 : i32 to index
        %parallel_loop3A_551 = arith.index_cast %parallel_loop3A_449 : i32 to index
        %parallel_loop3A_552 = arith.index_cast %parallel_loop3A_453 : i32 to index
        %parallel_loop3A_553 = tpu.vector_load %arg8[%parallel_loop3A_549, %parallel_loop3A_550, %parallel_loop3A_551, %parallel_loop3A_552] {strides = array<i32>} : memref<2x4x4x1024xf32, #tpu.memory_space<vmem>>, vector<1x1x1x16xf32>,
        %parallel_loop3A_554 = vector.shape_cast %parallel_loop3A_553 : vector<1x1x1x16xf32> to vector<16xf32>
        %parallel_loop3A_555 = vector.shape_cast %parallel_loop3A_547 : vector<16xf32> to vector<1x1x1x16xf32>
        tpu.vector_store %arg8[%parallel_loop3A_549, %parallel_loop3A_550, %parallel_loop3A_551, %parallel_loop3A_552], %parallel_loop3A_555 {strides = array<i32>} : memref<2x4x4x1024xf32, #tpu.memory_space<vmem>>, vector<1x1x1x16xf32>,
      } {sc.loop_unroll_factor = 8 : i64, sc.parallel_access}
      %rem3A_403 = arith.constant 2 : i32
      %rem3A_404 = arith.remsi %scan3A_308, %rem3A_403 : i32
      %mul3A_405 = arith.constant 4 : i32
      %mul3A_406 = arith.muli %scan3A_308, %mul3A_405 : i32
      %add3A_407 = arith.addi %mul3A_2, %mul3A_406 : i32
      %dma_start3A_408 = arith.constant 0 : i32
      %dma_start3A_409 = arith.constant 0 : i32
      %dma_start3A_410 = arith.constant 0 : i32
      %dma_start3A_411 = tpu.memref_slice %arg8[%rem3A_404, %dma_start3A_408, %dma_start3A_409, %dma_start3A_410] : memref<2x4x4x1024xf32, #tpu.memory_space<vmem>> -> memref<1x4x4x1024xf32, #tpu.memory_space<vmem>>
      %dma_start3A_412 = tpu.memref_squeeze %dma_start3A_411 : memref<1x4x4x1024xf32, #tpu.memory_space<vmem>> -> memref<4x4x1024xf32, #tpu.memory_space<vmem>>
      %dma_start3A_413 = arith.constant 0 : i32
      %dma_start3A_414 = arith.constant 0 : i32
      %dma_start3A_415 = tpu.memref_slice %arg6[%dma_start3A_413, %add3A_407, %dma_start3A_414] : memref<4x2048x1024xf32, #tpu.memory_space<hbm>> -> memref<4x4x1024xf32, #tpu.memory_space<hbm>>
      %dma_start3A_416 = arith.constant 0 : i32
      %dma_start3A_417 = arith.constant 0 : i32
      %dma_start3A_418 = tpu.memref_slice %arg6[%dma_start3A_416, %add3A_407, %dma_start3A_417] : memref<4x2048x1024xf32, #tpu.memory_space<hbm>> -> memref<4x4x1024xf32, #tpu.memory_space<hbm>>
      %dma_start3A_419 = arith.constant 0 : i32
      %dma_start3A_420 = arith.constant 0 : i32
      %dma_start3A_421 = arith.constant 0 : i32
      %dma_start3A_422 = tpu.memref_slice %arg8[%rem3A_404, %dma_start3A_419, %dma_start3A_420, %dma_start3A_421] : memref<2x4x4x1024xf32, #tpu.memory_space<vmem>> -> memref<1x4x4x1024xf32, #tpu.memory_space<vmem>>
      %dma_start3A_423 = tpu.memref_squeeze %dma_start3A_422 : memref<1x4x4x1024xf32, #tpu.memory_space<vmem>> -> memref<4x4x1024xf32, #tpu.memory_space<vmem>>
      tpu.enqueue_dma source(%dma_start3A_423 : memref<4x4x1024xf32, #tpu.memory_space<vmem>>) target(%dma_start3A_418 : memref<4x4x1024xf32, #tpu.memory_space<hbm>>) target_semaphore(%arg15 : memref<!tpu.dma_semaphore, #tpu.memory_space<semaphore_mem>>)
      %scan3A_424 = arith.constant 0 : i32
      scf.yield %scan3A_424 : i32
    }
    %scan3A_270 = arith.constant 16 : i32
    %dma_wait3A = arith.constant 0 : i32
    %dma_wait3A_271 = arith.constant 0 : i32
    %dma_wait3A_272 = arith.constant 0 : i32
    %dma_wait3A_273 = arith.constant 0 : i32
    %dma_wait3A_274 = tpu.memref_slice %arg8[%dma_wait3A, %dma_wait3A_271, %dma_wait3A_272, %dma_wait3A_273] : memref<2x4x4x1024xf32, #tpu.memory_space<vmem>> -> memref<1x4x4x1024xf32, #tpu.memory_space<vmem>>
    %dma_wait3A_275 = tpu.memref_squeeze %dma_wait3A_274 : memref<1x4x4x1024xf32, #tpu.memory_space<vmem>> -> memref<4x4x1024xf32, #tpu.memory_space<vmem>>
    %dma_wait3A_276 = arith.constant 0 : i32
    %dma_wait3A_277 = arith.constant 0 : i32
    %dma_wait3A_278 = arith.constant 0 : i32
    %dma_wait3A_279 = tpu.memref_slice %arg6[%dma_wait3A_276, %dma_wait3A_277, %dma_wait3A_278] : memref<4x2048x1024xf32, #tpu.memory_space<hbm>> -> memref<4x4x1024xf32, #tpu.memory_space<hbm>>
    %dma_wait3A_280 = arith.constant 0 : i32
    %dma_wait3A_281 = arith.constant 0 : i32
    %dma_wait3A_282 = arith.constant 0 : i32
    %dma_wait3A_283 = tpu.memref_slice %arg6[%dma_wait3A_280, %dma_wait3A_281, %dma_wait3A_282] : memref<4x2048x1024xf32, #tpu.memory_space<hbm>> -> memref<4x4x1024xf32, #tpu.memory_space<hbm>>
    %dma_wait3A_284 = arith.constant 0 : i32
    %dma_wait3A_285 = arith.constant 0 : i32
    %dma_wait3A_286 = arith.constant 0 : i32
    %dma_wait3A_287 = tpu.memref_slice %arg8[%dma_wait3A, %dma_wait3A_284, %dma_wait3A_285, %dma_wait3A_286] : memref<2x4x4x1024xf32, #tpu.memory_space<vmem>> -> memref<1x4x4x1024xf32, #tpu.memory_space<vmem>>
    %dma_wait3A_288 = tpu.memref_squeeze %dma_wait3A_287 : memref<1x4x4x1024xf32, #tpu.memory_space<vmem>> -> memref<4x4x1024xf32, #tpu.memory_space<vmem>>
    tpu.wait_dma2 semaphore(%arg15 : memref<!tpu.dma_semaphore, #tpu.memory_space<semaphore_mem>>) src(%dma_wait3A_288 : memref<4x4x1024xf32, #tpu.memory_space<vmem>>) dst(%dma_wait3A_283 : memref<4x4x1024xf32, #tpu.memory_space<hbm>>)
    %dma_wait3A_289 = arith.constant 0 : i32
    %dma_wait3A_290 = arith.constant 0 : i32
    %dma_wait3A_291 = arith.constant 0 : i32
    %dma_wait3A_292 = arith.constant 0 : i32
    %dma_wait3A_293 = tpu.memref_slice %arg8[%dma_wait3A_289, %dma_wait3A_290, %dma_wait3A_291, %dma_wait3A_292] : memref<2x4x4x1024xf32, #tpu.memory_space<vmem>> -> memref<1x4x4x1024xf32, #tpu.memory_space<vmem>>
    %dma_wait3A_294 = tpu.memref_squeeze %dma_wait3A_293 : memref<1x4x4x1024xf32, #tpu.memory_space<vmem>> -> memref<4x4x1024xf32, #tpu.memory_space<vmem>>
    %dma_wait3A_295 = arith.constant 0 : i32
    %dma_wait3A_296 = arith.constant 0 : i32
    %dma_wait3A_297 = arith.constant 0 : i32
    %dma_wait3A_298 = tpu.memref_slice %arg6[%dma_wait3A_295, %dma_wait3A_296, %dma_wait3A_297] : memref<4x2048x1024xf32, #tpu.memory_space<hbm>> -> memref<4x4x1024xf32, #tpu.memory_space<hbm>>
    %dma_wait3A_299 = arith.constant 0 : i32
    %dma_wait3A_300 = arith.constant 0 : i32
    %dma_wait3A_301 = arith.constant 0 : i32
    %dma_wait3A_302 = tpu.memref_slice %arg6[%dma_wait3A_299, %dma_wait3A_300, %dma_wait3A_301] : memref<4x2048x1024xf32, #tpu.memory_space<hbm>> -> memref<4x4x1024xf32, #tpu.memory_space<hbm>>
    %dma_wait3A_303 = arith.constant 0 : i32
    %dma_wait3A_304 = arith.constant 0 : i32
    %dma_wait3A_305 = arith.constant 0 : i32
    %dma_wait3A_306 = tpu.memref_slice %arg8[%dma_wait3A_289, %dma_wait3A_303, %dma_wait3A_304, %dma_wait3A_305] : memref<2x4x4x1024xf32, #tpu.memory_space<vmem>> -> memref<1x4x4x1024xf32, #tpu.memory_space<vmem>>
    %dma_wait3A_307 = tpu.memref_squeeze %dma_wait3A_306 : memref<1x4x4x1024xf32, #tpu.memory_space<vmem>> -> memref<4x4x1024xf32, #tpu.memory_space<vmem>>
    tpu.wait_dma2 semaphore(%arg15 : memref<!tpu.dma_semaphore, #tpu.memory_space<semaphore_mem>>) src(%dma_wait3A_307 : memref<4x4x1024xf32, #tpu.memory_space<vmem>>) dst(%dma_wait3A_302 : memref<4x4x1024xf32, #tpu.memory_space<hbm>>)
    return
  }
}

</mosaic_0001>

<sc_bundles>
// kernel: _sc_call.3.cloned.1.call-start
scs
__scs_entry_jumppad:
0x0: {  	(pc) =	sbr.rel $0x88, $3  }
0x1: {  	(tag) =	ssettag $0x0;
	lr =	simm.s32 $0x1  }
0x2: {  	[smem:$0x3F9D] =	sst lr;
	_ =	strace $0xD0000000  }
0x3: {  	_ = 	snop  }
0x4: {  	_ = 	snop  }
0x5: {  	_ = 	snop  }
0x6: {  	_ = 	snop  }
0x7: {  	_ = 	snop  }
__scs_overlays_trampoline_lowered:
0x8: {  	[smem:$0x3FAC] =	sst s0  }
0x9: {  	[smem:$0x3FAD] =	sst s1  }
0xa: {  	[smem:$0x3FAE] =	sst s2  }
0xb: {  	[smem:$0x3FAF] =	sst s3  }
0xc: {  	[smem:$0x3FB0] =	sst s4  }
0xd: {  	[smem:$0x3FB1] =	sst s5  }
0xe: {  	[smem:$0x3FB2] =	sst s6  }
0xf: {  	[smem:$0x3FB3] =	sst s7  }
0x10: {  	[smem:$0x3FB4] =	sst s8  }
0x11: {  	[smem:$0x3FB5] =	sst s9;
	s0 =	simm.s32 @!p0 $0x0  }
0x12: {  	s1 =	sld [smem:$0x3F9B];
	s0 =	simm.s32 @p0 $0x1  }
0x13: {  	[smem:$0x3FB6] =	sst s0;
	s0 =	simm.s32 @!p1 $0x0  }
0x14: {  	s2 =	sld [smem:$0x3F9A];
	s0 =	simm.s32 @p1 $0x1  }
0x15: {  	[smem:$0x3FB7] =	sst s0;
	s0 =	simm.s32 @!p2 $0x0  }
0x16: {  	s3 =	sld [smem:$0x3FDB];
	s0 =	simm.s32 @p2 $0x1  }
0x17: {  	s4 =	simm.s32 $0x1BF5;
	[smem:$0x3FB9] =	sst s0  }
0x18: {  	s0 =	sld [smem:$0x3F9C];
	_ =	swait.ge [sflag:s4], $0x0  }
0x19: {  	s7 =	sld [smem:$0x3F9D]  }
0x1a: {  	s8 =	sadd.s32 $0xFFFFE003, lr  }
0x1b: {  	s9 =	sadd.s32 $0xFFFFFEF7, lr;
	s5 =	simm.s32 $0xFFFFFFFF;
	p2 =	slt.u32 s8, $0xFFFFF086  }
0x1c: {  	p1 =	slt.u32 s9, $0xF7A;
	s5 =	simm.s32 @!p2 $0x0  }
0x1d: {  	s5 =	simm.s32 @p1 $0x1;
	p0 =	seq.s32 s7, s2  }
0x1e: {  	s7 =	smul.u32 @!p0 $0xF7A, s2;
	p2 =	seq.s32 @!p0 s5, $0x0  }
0x1f: {  	s9 =	smul.u32 $0xF7A, s1;
	s8 =	simm.s32 @!p0 $0x1BF5;
	p2 =	por !p2, p0  }
0x20: {  	[sflag:s8] =	ssyncset.s32 @!p0 $0xFFFFF086;
	s6 =	sadd.s32 @!p0 s3, s7;
	s7 =	simm.s32 @!p0 $0x108  }
0x21: {  	s3 =	sadd.s32 s3, s9;
	s6 =	sadd.s32 @!p0 $0x88, s6;
	s7 =	simm.s32 @p2 $0x1082  }
0x22: {  	[simem:s7], [sflag:s8] =	dma.local @!p0 [hbm:s6], $0xF7A  }
0x23: {  	s9 =	sor.u32 $0xD0000000, s2;
	s6 =	simm.s32 $0x108;
	_ =	swait.ge @!p0 [sflag:s8], $0x0  }
0x24: {  	s3 =	sadd.s32 $0x88, s3;
	s6 =	simm.s32 @!p1 $0x1082;
	[sflag:s4] =	ssyncset.s32 $0xFFFFF086  }
0x25: {  	[simem:s6], [sflag:s4] =	dma.local [hbm:s3], $0xF7A  }
0x26: {  	[smem:$0x3F9D] =	sst s1;
	(tag) =	ssettag s2;
	_ =	strace s9  }
0x27: {  	s1 =	sld [smem:$0x3FAD]  }
0x28: {  	s2 =	sld [smem:$0x3FAE]  }
0x29: {  	s4 =	sld [smem:$0x3FB0]  }
0x2a: {  	p0 =	seq.s32 s5, $0x0;
	s5 =	sld [smem:$0x3FB1]  }
0x2b: {  	s6 =	sld [smem:$0x3FB2]  }
0x2c: {  	s7 =	sld [smem:$0x3FB3]  }
0x2d: {  	s3 =	simm.s32 $0x108;
	s8 =	sld [smem:$0x3FB4]  }
0x2e: {  	s3 =	simm.s32 @!p0 $0x1082;
	s9 =	sld [smem:$0x3FB5]  }
0x2f: {  	lr =	sadd.s32 s0, s3;
	s0 =	sld [smem:$0x3FAC]  }
0x30: {  	s3 =	sld [smem:$0x3FAF]  }
0x31: {  	[smem:$0x3FB8] =	sst s10  }
0x32: {  	s10 =	sld [smem:$0x3FB6];
	_ =	sdelay $0x3  }
0x33: {  	p0 =	seq.s32 s10, $0x1;
	s10 =	sld [smem:$0x3FB8];
	_ =	sdelay $0x3  }
0x34: {  	[smem:$0x3FB8] =	sst s10  }
0x35: {  	s10 =	sld [smem:$0x3FB7];
	_ =	sdelay $0x3  }
0x36: {  	p1 =	seq.s32 s10, $0x1;
	s10 =	sld [smem:$0x3FB8];
	_ =	sdelay $0x3  }
0x37: {  	[smem:$0x3FB8] =	sst s10  }
0x38: {  	s10 =	sld [smem:$0x3FB9]  }
0x39: {  	_ = 	snop;
	(pc) =	sbr.ind lr, $3  }
0x3a: {  	_ = 	snop  }
0x3b: {  	_ = 	snop  }
0x3c: {  	p2 =	seq.s32 s10, $0x1;
	s10 =	sld [smem:$0x3FB8]  }
0x3d: {  	_ =	shalt  }
0x3e: {  	_ =	shalt  }
0x3f: {  	_ =	shalt  }
0x40: {  	_ =	shalt  }
0x41: {  	_ =	shalt  }
0x42: {  	_ =	shalt  }
0x43: {  	_ =	shalt  }
0x44: {  	_ =	shalt  }
0x45: {  	_ =	shalt  }
0x46: {  	_ =	shalt  }
0x47: {  	_ =	shalt  }
0x48: {  	_ =	shalt  }
0x49: {  	_ =	shalt  }
0x4a: {  	_ =	shalt  }
0x4b: {  	_ =	shalt  }
0x4c: {  	_ =	shalt  }
0x4d: {  	_ =	shalt  }
0x4e: {  	_ =	shalt  }
0x4f: {  	_ =	shalt  }
0x50: {  	_ =	shalt  }
0x51: {  	_ =	shalt  }
0x52: {  	_ =	shalt  }
0x53: {  	_ =	shalt  }
0x54: {  	_ =	shalt  }
0x55: {  	_ =	shalt  }
0x56: {  	_ =	shalt  }
0x57: {  	_ =	shalt  }
0x58: {  	_ =	shalt  }
0x59: {  	_ =	shalt  }
0x5a: {  	_ =	shalt  }
0x5b: {  	_ =	shalt  }
0x5c: {  	_ =	shalt  }
0x5d: {  	_ =	shalt  }
0x5e: {  	_ =	shalt  }
0x5f: {  	_ =	shalt  }
0x60: {  	_ =	shalt  }
0x61: {  	_ =	shalt  }
0x62: {  	_ =	shalt  }
0x63: {  	_ =	shalt  }
0x64: {  	_ =	shalt  }
0x65: {  	_ =	shalt  }
0x66: {  	_ =	shalt  }
0x67: {  	_ =	shalt  }
0x68: {  	_ =	shalt  }
0x69: {  	_ =	shalt  }
0x6a: {  	_ =	shalt  }
0x6b: {  	_ =	shalt  }
0x6c: {  	_ =	shalt  }
0x6d: {  	_ =	shalt  }
0x6e: {  	_ =	shalt  }
0x6f: {  	_ =	shalt  }
0x70: {  	_ =	shalt  }
0x71: {  	_ =	shalt  }
0x72: {  	_ =	shalt  }
0x73: {  	_ =	shalt  }
0x74: {  	_ =	shalt  }
0x75: {  	_ =	shalt  }
0x76: {  	_ =	shalt  }
0x77: {  	_ =	shalt  }
0x78: {  	_ =	shalt  }
0x79: {  	_ =	shalt  }
0x7a: {  	_ =	shalt  }
0x7b: {  	_ =	shalt  }
0x7c: {  	_ =	shalt  }
0x7d: {  	_ =	shalt  }
0x7e: {  	_ =	shalt  }
0x7f: {  	_ =	shalt  }
0x80: {  	_ =	shalt  }
0x81: {  	_ =	shalt  }
0x82: {  	_ =	shalt  }
0x83: {  	_ =	shalt  }
0x84: {  	_ =	shalt  }
0x85: {  	_ =	shalt  }
0x86: {  	_ =	shalt  }
0x87: {  	_ =	shalt  }
.Lfunc_end0:
.L_simem_size_0:
called_computation_lowered:
.L_overlay_start_0:
0x88: {  	s2 =	sld [smem:$0x3FD9]  }
0x89: {  	s3 =	sld [smem:$0x3FFE];
	_ =	sdelay $0x1  }
0x8a: {  	s1 =	srdreg.scid  }
0x8b: {  	s0 =	sand.u32 $0x1, s1  }
0x8c: {  	s18 =	sshll.u32 s0, $0xA;
	s2 =	sadd.s32 s3, s2  }
0x8d: {  	s2 =	sadd.s32 s2, s18  }
0x8e: {  	[smem:$0x3FC4] =	sst s2  }
0x8f: {  	_ = 	snop  }
0x90: {  	s2 =	sld [smem:$0x3FC9]  }
0x91: {  	s19 =	sld [smem:$0x3FC8]  }
0x92: {  	s4 =	sld [smem:$0x3FC7]  }
0x93: {  	s5 =	sld [smem:$0x3FC6]  }
0x94: {  	s6 =	sld [smem:$0x3FD0];
	(tm) =	ssettm $0x1  }
0x95: {  	s7 =	sld [smem:$0x3FFB];
	_ =	sdelay $0x3  }
0x96: {  	_ =	strace s7  }
0x97: {  	s7 =	sld [smem:$0x3FFC];
	_ =	sdelay $0x3  }
0x98: {  	_ =	strace s7  }
0x99: {  	s7 =	sld [smem:$0x3FFD];
	_ =	sdelay $0x3  }
0x9a: {  	_ =	strace s7  }
0x9b: {  	_ =	strace $0x8FFFFFFF  }
0x9c: {  	s20 =	sld [smem:$0x3FDB];
	_ =	sdelay $0x1  }
0x9d: {  	s8 =	simm.s32 $_scs_section_size  }
0x9e: {  	s9 =	simm.s32 $_size__tile_overlayer_lowered;
	s10 =	simm.s32 $_tile_overlayer_lowered  }
0x9f: {  	s23 =	simm.s32 $0x1BFF;
	s22 =	sshll.u32 s10, $0x1;
	s7 =	sadd.s32 s8, s20  }
0xa0: {  	s11 =	simm.s32 $0x0;
	s21 =	sshll.u32 s9, $0x1;
	s9 =	sadd.s32 s22, s7  }
0xa1: {  	[timem:s11], [sflag:s23] =	dma.local [hbm:s9], s21  }
0xa2: {  	_ =	swait.ge [sflag:s23], s21  }
0xa3: {  	s8 =	ssub.s32 $0x0, s21;
	[sflag:s23] =	ssyncset.done $0x0  }
0xa4: {  	[sflag:s23] =	ssyncadd.s32 s8;
	_ =	sdelay $0x1  }
0xa5: {  	s24 =	simm.s32 $0x1B8B  }
0xa6: {  	_ =	swait.ge [sflag:s24], $0x1  }
0xa7: {  	[sflag:s24] =	ssyncset.done $0x0  }
0xa8: {  	s25 =	simm.s32 $0x1B8E;
	[sflag:s24] =	ssyncadd.s32 $0xFFFFFFFF  }
0xa9: {  	s26 =	simm.s32 $execute0_lowered;
	[smem:$0x3FD2] =	sst s25  }
0xaa: {  	s8 =	sshll.u32 s26, $0x1;
	_ =	strace $0x80000046;
	[dreg:$0x1] =	wrdreg $0xFFFFFFFF  }
0xab: {  	s28 =	simm.s32 $_size_execute0_lowered;
	s7 =	sadd.s32 s7, s8;
	[dreg:$0x0] =	wrdreg $0x0  }
0xac: {  	s8 =	sshll.u32 s28, $0x1;
	[dreg:$0x2] =	wrdreg s7  }
0xad: {  	[dreg:$0x3] =	wrdreg s8  }
0xae: {  	[dreg:$0x4] =	wrdreg $0xC0  }
0xaf: {  	_ =	task [dreg:s11], $0x5FFFF  }
0xb0: {  	[dreg:$0x1] =	wrdreg $0xFFFFFFFF  }
0xb1: {  	[dreg:$0x0] =	wrdreg $0x60  }
0xb2: {  	[dreg:$0x2] =	wrdreg s2  }
0xb3: {  	[dreg:$0x3] =	wrdreg s19  }
0xb4: {  	[dreg:$0x4] =	wrdreg s4  }
0xb5: {  	[dreg:$0x5] =	wrdreg s5  }
0xb6: {  	[dreg:$0x6] =	wrdreg s6  }
0xb7: {  	[dreg:$0x7] =	wrdreg $0x9  }
0xb8: {  	_ =	task.clear_ibuf [dreg:s11], $0x8FFFF;
	_ =	strace $0x90000046  }
0xb9: {  	s29 =	simm.s32 $0x9;
	_ =	strace $0x80000048  }
0xba: {  	_ =	swait.ge [sflag:s29], $0x1  }
0xbb: {  	[sflag:s29] =	ssyncadd.s32 $0xFFFFFFFF  }
0xbc: {  	_ =	strace $0x90000048  }
0xbd: {  	_ =	sfence  }
0xbe: {  	s30 =	sld [smem:$0x0];
	_ =	sdelay $0x2  }
0xbf: {  	s31 =	sshll.u32 s1, $0xD;
	s1 =	sshrl.u32 s1, $0x2  }
0xc0: {  	s3 =	sand.u32 $0x4000, s31;
	s1 =	sadd.s32 s1, s30  }
0xc1: {  	s0 =	sor.u32 s3, s0;
	s1 =	sshll.u32 s1, $0x11  }
0xc2: {  	s0 =	sor.u32 s1, s0  }
0xc3: {  	s0 =	sadd.s32 $0x8F2B, s0  }
0xc4: {  	[sflag:s0] =	ssyncadd.remote.s32 $0x1  }
0xc5: {  	_ =	sfence.sel $0xFFFF  }
0xc6: {  	[dreg:$0x0] =	wrdreg $0xFFFFFFFF;
	(pc) =	sbr.abs _section_cstart, $3  }
0xc7: {  	[dreg:$0x1] =	wrdreg $0xFFFFFFFF  }
0xc8: {  	_ =	task.clear_ibuf [dreg:s11], $0x2FFFF;
	_ =	strace $0x9FFFFFFF  }
0xc9: {  	(tm) =	ssettm $0x7FFFFFFF  }
tec
execute0_lowered:
.L_overlay_start_1:
0x0: {  	(tag) =	ssettag $0x1  }
0x1: {  	s4 =	rddreg [dreg:$0x0]  }
0x2: {  	s0 =	rddreg [dreg:$0x1]  }
0x3: {  	s1 =	srdreg.scid;
	s9 =	rddreg [dreg:$0x3]  }
0x4: {  	s2 =	stileid.u32;
	s5 =	rddreg [dreg:$0x4]  }
0x5: {  	s7 =	simm.s32 $0x0;
	s1 =	sand.u32 $0x1, s1;
	s2 =	sshll.u32 s2, $0x7  }
0x6: {  	[smem:$0x7FF] =	sst s7;
	s3 =	sshll.u32 s1, $0x6;
	s1 =	ssub.s32 $0x2, s1  }
0x7: {  	_ =	strace $0x80000047;
	s2 =	sor.u32 s3, s2;
	s8 =	sshrl.u32 s1, $0x1  }
0x8: {  	s6 =	sshll.u32 s2, $0x2;
	s1 =	ssub.s32 s1, s8;
	s2 =	sshll.u32 s2, $0x7  }
0x9: {  	s22 =	sand.u32 $0x1E00, s6;
	s25 =	sadd.s32 s4, s2;
	[dreg:$0xb] =	wrdreg s2  }
0xa: {  	s26 =	sadd.s32 s9, s2;
	s28 =	sor.u32 $0x40, s2;
	[dreg:$0xc] =	wrdreg s25  }
0xb: {  	s30 =	sadd.s32 s5, s2;
	s31 =	smax.u32 s1, $0x1;
	[dreg:$0xd] =	wrdreg s26  }
0xc: {  	s7 =	sor.u32 s3, s22;
	s3 =	sor.u32 s3, s6;
	[dreg:$0x10] =	wrdreg s30  }
0xd: {  	s29 =	sadd.s32 s4, s28;
	[dreg:$0x11] =	wrdreg s31;
	s7 =	sshrl.u32 s7, $0x3  }
0xe: {  	s3 =	sshrl.u32 s3, $0x3;
	[dreg:$0xe] =	wrdreg s29;
	s23 =	sadd.s32 s0, s7  }
0xf: {  	s24 =	sor.u32 $0x20, s3;
	[dreg:$0x7] =	wrdreg s23;
	s6 =	sadd.s32 $0x10, s23  }
0x10: {  	s3 =	sor.u32 $0x30, s3;
	[dreg:$0x8] =	wrdreg s6;
	s6 =	sadd.s32 s0, s24  }
0x11: {  	s0 =	sadd.s32 s0, s3;
	[dreg:$0x9] =	wrdreg s6  }
0x12: {  	s19 =	simm.s32 $0x1;
	[dreg:$0xa] =	wrdreg s0;
	s0 =	sadd.s32 s9, s28  }
0x13: {  	s2 =	simm.s32 $0x0;
	s24 =	simm.s32 $0x400;
	[dreg:$0xf] =	wrdreg s0  }
.LBB2_1:
0x14: {  	[dreg:$0x12] =	wrdreg s2;
	s4 =	simm.s32 $0x0  }
0x15: {  	s0 =	rddreg [dreg:$0x7];
	s1 =	simm.s32 $0x17200;
	s13 =	simm.s32 $0x3  }
0x16: {  	[tilespmem:s1], [sflag:$0x3] =	stream.linear.gather [hbm4b:s0+s4], $0x40, $0x38;
	[tilespmem:$0x18000] =	vst v63  }
0x17: {  	_ =	swait.ge [sflag:s13], $0x40  }
0x18: {  	[sflag:s13] =	ssyncset.done $0x0  }
0x19: {  	s15 =	simm.s32 $0x17280;
	s14 =	rddreg [dreg:$0x8];
	[sflag:s13] =	ssyncadd.s32 $0xFFFFFFC0  }
0x1a: {  	[tilespmem:s15], [sflag:$0x3] =	stream.linear.gather [hbm4b:s14+s4], $0x40, $0x38;
	[tilespmem:$0x18000] =	vst v63  }
0x1b: {  	_ =	swait.ge [sflag:s13], $0x40  }
0x1c: {  	[sflag:s13] =	ssyncset.done $0x0  }
0x1d: {  	s17 =	simm.s32 $0x17300;
	s16 =	rddreg [dreg:$0x9];
	[sflag:s13] =	ssyncadd.s32 $0xFFFFFFC0  }
0x1e: {  	[tilespmem:s17], [sflag:$0x3] =	stream.linear.gather [hbm4b:s16+s4], $0x40, $0x38;
	[tilespmem:$0x18000] =	vst v63  }
0x1f: {  	_ =	swait.ge [sflag:s13], $0x40  }
0x20: {  	[sflag:s13] =	ssyncset.done $0x0  }
0x21: {  	s20 =	simm.s32 $0x17380;
	s18 =	rddreg [dreg:$0xa];
	[sflag:s13] =	ssyncadd.s32 $0xFFFFFFC0  }
0x22: {  	[tilespmem:s20], [sflag:$0x3] =	stream.linear.gather [hbm4b:s18+s4], $0x40, $0x38;
	[tilespmem:$0x18000] =	vst v63  }
0x23: {  	_ =	swait.ge [sflag:s13], $0x40  }
0x24: {  	[sflag:s13] =	ssyncset.done $0x0  }
0x25: {  	[sflag:s13] =	ssyncadd.s32 $0xFFFFFFC0  }
0x26: {  	s22 =	simm.s32 $0x17400;
	s21 =	rddreg [dreg:$0x2]  }
0x27: {  	[tilespmem:s22], [sflag:$0x3] =	stream.linear.gather [hbm4b:s21+s4], $0x800, $0x38;
	[tilespmem:$0x18000] =	vst v63  }
0x28: {  	_ =	swait.ge [sflag:s13], $0x800  }
0x29: {  	[sflag:s13] =	ssyncset.done $0x0  }
0x2a: {  	[sflag:s13] =	ssyncadd.s32 $0xFFFFF800  }
0x2b: {  	v0 =	vld [tilespmem:$0x17200]  }
0x2c: {  	v1 =	vld [tilespmem:$0x17210]  }
0x2d: {  	v2 =	vld [tilespmem:$0x17220]  }
0x2e: {  	v3 =	vld [tilespmem:$0x17230]  }
0x2f: {  	v4 =	vld [tilespmem:$0x17280]  }
0x30: {  	v5 =	vld [tilespmem:$0x17290];
	v0 =	vcvt.s32.f32 v0  }
0x31: {  	v6 =	vld [tilespmem:$0x172A0];
	v1 =	vcvt.s32.f32 v1  }
0x32: {  	[tilespmem:$0x17000] =	vst v0;
	v0 =	vcvt.s32.f32 v2;
	v2 =	vld [tilespmem:$0x172B0]  }
0x33: {  	[tilespmem:$0x17010] =	vst v1;
	v1 =	vcvt.s32.f32 v3;
	v3 =	vld [tilespmem:$0x17300]  }
0x34: {  	[tilespmem:$0x17020] =	vst v0;
	v0 =	vcvt.s32.f32 v4;
	v4 =	vld [tilespmem:$0x17310]  }
0x35: {  	[tilespmem:$0x17030] =	vst v1;
	v1 =	vcvt.s32.f32 v5;
	v5 =	vld [tilespmem:$0x17320]  }
0x36: {  	[tilespmem:$0x17080] =	vst v0;
	v0 =	vcvt.s32.f32 v6;
	v6 =	vld [tilespmem:$0x17330]  }
0x37: {  	[tilespmem:$0x17090] =	vst v1;
	v1 =	vcvt.s32.f32 v2;
	v2 =	vld [tilespmem:$0x17380]  }
0x38: {  	[tilespmem:$0x170A0] =	vst v0;
	v0 =	vcvt.s32.f32 v3;
	v3 =	vld [tilespmem:$0x17390]  }
0x39: {  	[tilespmem:$0x170B0] =	vst v1;
	v1 =	vcvt.s32.f32 v4;
	v4 =	vld [tilespmem:$0x173A0]  }
0x3a: {  	[tilespmem:$0x17100] =	vst v0;
	v0 =	vcvt.s32.f32 v5;
	v5 =	vld [tilespmem:$0x173B0]  }
0x3b: {  	[tilespmem:$0x17110] =	vst v1;
	v1 =	vcvt.s32.f32 v6  }
0x3c: {  	[tilespmem:$0x17120] =	vst v0;
	v0 =	vcvt.s32.f32 v2  }
0x3d: {  	[tilespmem:$0x17130] =	vst v1;
	v1 =	vcvt.s32.f32 v3  }
0x3e: {  	[tilespmem:$0x17180] =	vst v0;
	v0 =	vcvt.s32.f32 v4  }
0x3f: {  	s23 =	sand.u32 $0x40, s4;
	s25 =	sand.u32 $0x700, s4;
	[tilespmem:$0x17190] =	vst v1;
	v1 =	vcvt.s32.f32 v5  }
0x40: {  	s1 =	sadd.s32 $0x17400, s25;
	s3 =	sor.u32 $0x30, s23;
	[tilespmem:$0x171A0] =	vst v0  }
0x41: {  	s26 =	sor.u32 s3, s1;
	[tilespmem:$0x171B0] =	vst v1  }
0x42: {  	v0 =	vld [tilespmem:s26+$0x80]  }
0x43: {  	s5 =	sor.u32 s23, s1;
	v1 =	vld [tilespmem:s26+$0x0]  }
0x44: {  	s7 =	sor.u32 $0x10, s23;
	v2 =	vld [tilespmem:s5+$0x80]  }
0x45: {  	s28 =	sor.u32 s7, s1;
	v3 =	vld [tilespmem:s5+$0x0]  }
0x46: {  	s29 =	simm.s32 $0x80;
	s12 =	simm.s32 $0x40;
	s8 =	sor.u32 $0x20, s23;
	v4 =	vld [tilespmem:s28+$0x80]  }
0x47: {  	s30 =	sand.u32 $0x40, s12;
	s0 =	sand.u32 $0x700, s29;
	s1 =	sor.u32 s8, s1;
	v5 =	vld [tilespmem:s28+$0x0]  }
0x48: {  	s11 =	sadd.s32 $0x17400, s0;
	s2 =	sor.u32 $0x30, s30;
	v6 =	vld [tilespmem:s1+$0x80]  }
0x49: {  	s6 =	sand.u32 $0x380, s4;
	s31 =	sor.u32 s2, s11;
	v7 =	vld [tilespmem:s1+$0x0]  }
0x4a: {  	s12 =	sand.u32 $0x380, s12;
	s0 =	sor.u32 $0x20, s30;
	s13 =	sor.u32 $0x17C00, s6;
	v1 =	vsub.f32 v0, v1;
	v0 =	vld [tilespmem:s31+$0x80]  }
0x4b: {  	s14 =	simm.s32 $0x17C00;
	s16 =	sor.u32 s30, s11;
	s3 =	sor.u32 s3, s13;
	v2 =	vsub.f32 v2, v3;
	v3 =	vld [tilespmem:s31+$0x0]  }
0x4c: {  	s6 =	sor.u32 s0, s11;
	s18 =	sor.u32 s7, s13;
	s1 =	sor.u32 $0x10, s30;
	v5 =	vsub.f32 v4, v5;
	v4 =	vld [tilespmem:s16+$0x0];
	[tilespmem:s3+$0x0] =	vst v1  }
0x4d: {  	s7 =	simm.s32 $0x100;
	s5 =	simm.s32 $0x4;
	s9 =	sor.u32 s1, s11;
	v1 =	vld [tilespmem:s16+$0x80];
	[tilespmem:s14+$0x0] =	vst v2  }
0x4e: {  	s11 =	sor.u32 s8, s13;
	s8 =	simm.s32 $0x80;
	s3 =	simm.s32 $0x17C40;
	v2 =	vld [tilespmem:s9+$0x80];
	[tilespmem:s18+$0x0] =	vst v5;
	v5 =	vsub.f32 v6, v7  }
.LBB2_2:
0x4f: {  	s13 =	sand.u32 $0x40, s8  }
0x50: {  	s14 =	sand.u32 $0x700, s7;
	v6 =	vld [tilespmem:s9+$0x0];
	s12 =	sor.u32 $0x17C00, s12;
	s5 =	sadd.s32 $0x4, s5  }
0x51: {  	s14 =	sadd.s32 $0x17400, s14;
	s16 =	sor.u32 $0x30, s13;
	v7 =	vld [tilespmem:s6+$0x80];
	v3 =	vsub.f32 v0, v3;
	[tilespmem:s11+$0x0] =	vst v5;
	p0 =	slt.u32 s5, $0x3C  }
0x52: {  	s2 =	sor.u32 s2, s12;
	s20 =	sor.u32 $0x10, s13;
	s11 =	sor.u32 s16, s14;
	v5 =	vld [tilespmem:s6+$0x0]  }
.Ltmp0:
0x53: {  	s18 =	sor.u32 s13, s14;
	s13 =	sor.u32 $0x20, s13;
	v0 =	vld [tilespmem:s11+$0x80];
	v4 =	vsub.f32 v1, v4;
	[tilespmem:s2+$0x0] =	vst v3;
	(pc) =	sbr.rel @p0 .LBB2_2-.Ltmp0, $4  }
0x54: {  	s9 =	sor.u32 s20, s14;
	s6 =	sor.u32 s13, s14;
	s14 =	sor.u32 s1, s12;
	v3 =	vld [tilespmem:s11+$0x0]  }
0x55: {  	s2 =	smov.u32 s16;
	s1 =	smov.u32 s20;
	s11 =	sor.u32 s0, s12;
	v1 =	vld [tilespmem:s18+$0x80];
	[tilespmem:s3+$0x0] =	vst v4;
	v6 =	vsub.f32 v2, v6  }
0x56: {  	s0 =	smov.u32 s13;
	s3 =	sadd.s32 $0x40, s3;
	v4 =	vld [tilespmem:s18+$0x0]  }
0x57: {  	s7 =	sadd.s32 $0x80, s7;
	s12 =	sand.u32 $0x380, s8;
	s8 =	sadd.s32 $0x40, s8;
	v2 =	vld [tilespmem:s9+$0x80];
	[tilespmem:s14+$0x0] =	vst v6;
	v5 =	vsub.f32 v7, v5  }
0x58: {  	v6 =	vld [tilespmem:s9+$0x0]  }
0x59: {  	v7 =	vld [tilespmem:s6+$0x80]  }
0x5a: {  	v8 =	vld [tilespmem:s6+$0x0];
	_ =	sdelay $0x1  }
0x5b: {  	s5 =	sor.u32 $0x17C00, s12;
	v0 =	vsub.f32 v0, v3  }
0x5c: {  	[tilespmem:s11+$0x0] =	vst v5;
	s2 =	sor.u32 s2, s5;
	v1 =	vsub.f32 v1, v4  }
0x5d: {  	[tilespmem:s2+$0x0] =	vst v0;
	v62 =	vsub.f32 v2, v6  }
0x5e: {  	s1 =	sor.u32 s1, s5;
	[tilespmem:s3+$0x0] =	vst v1;
	v63 =	vsub.f32 v7, v8  }
0x5f: {  	s0 =	sor.u32 s0, s5;
	[tilespmem:s1+$0x0] =	vst v62  }
0x60: {  	[tilespmem:s0+$0x0] =	vst v63  }
0x61: {  	s21 =	simm.s32 $0x0;
	s9 =	simm.s32 $0x200;
	s1 =	rddreg [dreg:$0xc]  }
0x62: {  	[tilespmem:s21], [sflag:$0x1] =	stream.strided.gather [hbm4b:s1+s9], $0x1000, s24, s9, $0x38;
	[tilespmem:$0x18000] =	vst v63  }
0x63: {  	s11 =	simm.s32 $0x1000;
	s10 =	sadd.s32 $0x40000, s1  }
0x64: {  	[tilespmem:s11], [sflag:$0x1] =	stream.strided.gather [hbm4b:s10+s9], $0x1000, s24, s9, $0x38;
	[tilespmem:$0x18000] =	vst v63  }
0x65: {  	s13 =	simm.s32 $0x2000;
	s12 =	sadd.s32 $0x80000, s1  }
0x66: {  	[tilespmem:s13], [sflag:$0x1] =	stream.strided.gather [hbm4b:s12+s9], $0x1000, s24, s9, $0x38;
	[tilespmem:$0x18000] =	vst v63  }
0x67: {  	s15 =	simm.s32 $0x3000;
	s14 =	sadd.s32 $0xC0000, s1  }
0x68: {  	[tilespmem:s15], [sflag:$0x1] =	stream.strided.gather [hbm4b:s14+s9], $0x1000, s24, s9, $0x38;
	[tilespmem:$0x18000] =	vst v63  }
0x69: {  	s17 =	simm.s32 $0x14000;
	s16 =	rddreg [dreg:$0xd]  }
0x6a: {  	[tilespmem:s17], [sflag:$0x1] =	stream.strided.gather [hbm4b:s16+s9], $0x1000, s24, s9, $0x38;
	[tilespmem:$0x18000] =	vst v63  }
0x6b: {  	s20 =	simm.s32 $0x4000;
	s18 =	rddreg [dreg:$0xe]  }
0x6c: {  	[tilespmem:s20], [sflag:$0x1] =	stream.strided.gather [hbm4b:s18+s9], $0x1000, s24, s9, $0x38;
	[tilespmem:$0x18000] =	vst v63  }
0x6d: {  	s23 =	simm.s32 $0x5000;
	s22 =	sadd.s32 $0x40000, s18  }
0x6e: {  	[tilespmem:s23], [sflag:$0x1] =	stream.strided.gather [hbm4b:s22+s9], $0x1000, s24, s9, $0x38;
	[tilespmem:$0x18000] =	vst v63  }
0x6f: {  	s26 =	simm.s32 $0x6000;
	s25 =	sadd.s32 $0x80000, s18  }
0x70: {  	[tilespmem:s26], [sflag:$0x1] =	stream.strided.gather [hbm4b:s25+s9], $0x1000, s24, s9, $0x38;
	[tilespmem:$0x18000] =	vst v63  }
0x71: {  	s29 =	simm.s32 $0x7000;
	s28 =	sadd.s32 $0xC0000, s18  }
0x72: {  	[tilespmem:s29], [sflag:$0x1] =	stream.strided.gather [hbm4b:s28+s9], $0x1000, s24, s9, $0x38;
	[tilespmem:$0x18000] =	vst v63  }
0x73: {  	s31 =	simm.s32 $0x15000;
	s30 =	rddreg [dreg:$0xf]  }
0x74: {  	[tilespmem:s31], [sflag:$0x1] =	stream.strided.gather [hbm4b:s30+s9], $0x1000, s24, s9, $0x38;
	[tilespmem:$0x18000] =	vst v63  }
.LBB2_4:
0x75: {  	p0 =	sgt.u32 s21, $0xD  }
0x76: {  	s0 =	sadd.s32 @!p0 $0x2, s21  }
0x77: {  	s1 =	smul.u32 @!p0 $0xAB, s0;
	_ =	sdelay $0x1  }
0x78: {  	s1 =	sshrl.u32 @!p0 s1, $0x9  }
0x79: {  	s1 =	sand.u32 @!p0 $0x7F, s1  }
0x7a: {  	s1 =	smul.u32 @!p0 $0x3, s1;
	_ =	sdelay $0x1  }
0x7b: {  	s2 =	sshll.u32 @!p0 s0, $0x9;
	s0 =	ssub.s32 @!p0 s0, s1;
	s1 =	rddreg [dreg:$0xb]  }
0x7c: {  	s1 =	sadd.s32 @!p0 s1, s2;
	s2 =	sshll.u32 @!p0 s21, $0x6  }
0x7d: {  	s5 =	simm.s32 @!p0 $0x200;
	s1 =	sand.u32 @!p0 $0x7FC00, s1;
	s2 =	sand.u32 @!p0 $0x40, s2  }
0x7e: {  	s0 =	sand.u32 @!p0 $0xFF, s0;
	s1 =	sor.u32 @!p0 s2, s1;
	s2 =	rddreg [dreg:$0x0]  }
0x7f: {  	s6 =	simm.s32 @!p0 $0x400;
	s3 =	sshll.u32 @!p0 s0, $0xE;
	s2 =	sadd.s32 @!p0 s2, s1  }
0x80: {  	[tilespmem:s3], [sflag:$0x1] =	stream.strided.gather @!p0 [hbm4b:s2+s5], $0x1000, s6, s5, $0x38;
	[tilespmem:$0x18000] =	vst v63  }
0x81: {  	s8 =	sor.u32 @!p0 $0x1000, s3;
	s7 =	sadd.s32 @!p0 $0x40000, s2  }
0x82: {  	[tilespmem:s8], [sflag:$0x1] =	stream.strided.gather @!p0 [hbm4b:s7+s5], $0x1000, s6, s5, $0x38;
	[tilespmem:$0x18000] =	vst v63  }
0x83: {  	s7 =	sadd.s32 @!p0 $0x80000, s2;
	s8 =	sor.u32 @!p0 $0x2000, s3  }
0x84: {  	[tilespmem:s8], [sflag:$0x1] =	stream.strided.gather @!p0 [hbm4b:s7+s5], $0x1000, s6, s5, $0x38;
	[tilespmem:$0x18000] =	vst v63  }
0x85: {  	s2 =	sadd.s32 @!p0 $0xC0000, s2;
	s3 =	sor.u32 @!p0 $0x3000, s3  }
0x86: {  	[tilespmem:s3], [sflag:$0x1] =	stream.strided.gather @!p0 [hbm4b:s2+s5], $0x1000, s6, s5, $0x38;
	[tilespmem:$0x18000] =	vst v63  }
0x87: {  	s0 =	sshll.u32 @!p0 s0, $0xC;
	s2 =	rddreg [dreg:$0x3]  }
0x88: {  	p1 =	slt.u32 @!p0 s21, $0x2;
	s0 =	sor.u32 @!p0 $0x14000, s0;
	s1 =	sadd.s32 @!p0 s2, s1  }
0x89: {  	[tilespmem:s0], [sflag:$0x1] =	stream.strided.gather @!p0 [hbm4b:s1+s5], $0x1000, s6, s5, $0x38;
	[tilespmem:$0x18000] =	vst v63  }
0x8a: {  	p0 =	por p0, !p1  }
0x8b: {  	s0 =	simm.s32 @p0 $0x2  }
0x8c: {  	_ =	swait.ge @p0 [sflag:s0], $0x4000  }
0x8d: {  	[sflag:s0] =	ssyncset.done @p0 $0x0  }
0x8e: {  	[sflag:s0] =	ssyncadd.s32 @p0 $0xFFFFC000  }
0x8f: {  	_ =	swait.ge [sflag:s19], $0x4000  }
0x90: {  	[sflag:s19] =	ssyncset.done $0x0  }
0x91: {  	[sflag:s19] =	ssyncadd.s32 $0xFFFFC000  }
0x92: {  	_ =	swait.ge [sflag:s19], $0x1000  }
0x93: {  	s13 =	sshll.u32 s21, $0x2;
	[sflag:s19] =	ssyncset.done $0x0  }
0x94: {  	s14 =	sand.u32 $0x30, s13;
	[sflag:s19] =	ssyncadd.s32 $0xFFFFF000  }
0x95: {  	v9 =	vld [tilespmem:s14+$0x17000]  }
0x96: {  	s15 =	simm.s32 $0x0;
	v10 =	vld [tilespmem:s14+$0x17080]  }
0x97: {  	s2 =	sand.u32 $0x7, s15;
	s0 =	sand.u32 $0xC, s13;
	v1 =	vld [tilespmem:s14+$0x17100]  }
0x98: {  	s16 =	sshll.u32 s2, $0x8;
	[dreg:$0x6] =	wrdreg s0;
	v0 =	vld [tilespmem:s14+$0x17180]  }
0x99: {  	v12 =	vld [tilespmem:s16+$0x17410]  }
0x9a: {  	v13 =	vld [tilespmem:s16+$0x17420]  }
0x9b: {  	v14 =	vld [tilespmem:s16+$0x17430]  }
0x9c: {  	s17 =	smul.u32 $0xAB, s21;
	v15 =	vld [tilespmem:s16+$0x17440]  }
0x9d: {  	v23 =	vld [tilespmem:s16+$0x17450]  }
0x9e: {  	s1 =	sshrl.u32 s17, $0x9;
	s5 =	sshll.u32 s2, $0x9;
	v26 =	vld [tilespmem:s16+$0x17460]  }
0x9f: {  	s1 =	sand.u32 $0x7F, s1;
	s18 =	sshrl.u32 s5, $0x2;
	v27 =	vld [tilespmem:s16+$0x17470]  }
0xa0: {  	s1 =	smul.u32 $0x3, s1;
	v7 =	vld [tilespmem:s18+$0x17C10]  }
0xa1: {  	v5 =	vld [tilespmem:s18+$0x17C20]  }
0xa2: {  	s20 =	ssub.s32 s21, s1;
	v2 =	vld [tilespmem:s18+$0x17C30]  }
0xa3: {  	s0 =	sand.u32 $0xFF, s20;
	v3 =	vld [tilespmem:s18+$0x17C40]  }
0xa4: {  	s2 =	simm.s32 $0x0;
	s0 =	sshll.u32 s0, $0xE;
	v4 =	vld [tilespmem:s18+$0x17C50]  }
0xa5: {  	s4 =	simm.s32 $0x0;
	s23 =	sand.u32 $0x38, s2;
	s22 =	sshrl.u32 s0, $0x2;
	v6 =	vld [tilespmem:s18+$0x17C60]  }
0xa6: {  	s31 =	sshll.u32 s23, $0x6;
	s6 =	sshll.u32 s23, $0x5;
	s7 =	sadd.s32 $0x14000, s22;
	v8 =	vld [tilespmem:s18+$0x17C70]  }
0xa7: {  	s9 =	sshrl.u32 s31, $0x2;
	s25 =	rddreg [dreg:$0x6];
	v16 =	vld [tilespmem:s6+$0x17400];
	s26 =	sadd.s32 s31, s7  }
0xa8: {  	s1 =	sor.u32 s25, s4;
	s10 =	sadd.s32 s31, s0;
	v11 =	vld [tilespmem:s9+$0x17C00];
	s8 =	sadd.s32 $0x0, s26  }
0xa9: {  	v18 =	vmov s1;
	s12 =	sadd.s32 $0x0, s10;
	s11 =	sadd.s32 s5, s7;
	v17 =	vld [tilespmem:s8+$0x0]  }
0xaa: {  	v18 =	vand.u32 $0xF, v18;
	v21 =	vld [tilespmem:s12+$0x0];
	s13 =	sadd.s32 $0x0, s11  }
0xab: {  	v20 =	vbroadcast v18, $0x0;
	v18 =	vld [tilespmem:s13+$0x10]  }
0xac: {  	v24 =	vld [tilespmem:s13+$0x20]  }
0xad: {  	s15 =	sshll.u32 s21, $0xE;
	v25 =	vld [tilespmem:s13+$0x40]  }
0xae: {  	s3 =	sor.u32 $0x2000, s0;
	s30 =	sor.u32 $0x3000, s0;
	s1 =	sand.u32 $0x4000, s15;
	v34 =	vld [tilespmem:s13+$0x50];
	v29 =	vperm.xlane v9, v20;
	v19 =	vadd.f32 v16, v17  }
0xaf: {  	s14 =	sor.u32 $0x1000, s0;
	s16 =	sadd.s32 s5, s0;
	s22 =	sadd.s32 $0xC000, s1;
	v35 =	vld [tilespmem:s13+$0x60]  }
0xb0: {  	s25 =	sadd.s32 $0xD000, s1;
	s28 =	sadd.s32 $0xF000, s1;
	s12 =	sadd.s32 s5, s30;
	v36 =	vld [tilespmem:s13+$0x70];
	v16 =	vadd.f32 v21, v19;
	v21 =	vmul.f32 v29, v11  }
0xb1: {  	s20 =	sadd.s32 s31, s14;
	s26 =	sadd.s32 $0xE000, s1;
	s1 =	sadd.s32 $0x0, s16;
	v17 =	vld [tilespmem:s13+$0x30]  }
0xb2: {  	s17 =	sadd.s32 s31, s22;
	s16 =	sadd.s32 s5, s28;
	s11 =	sadd.s32 s5, s14;
	v37 =	vld [tilespmem:s1+$0x10];
	v32 =	vmul.f32 v7, v29;
	v21 =	vadd.f32 v16, v21  }
0xb3: {  	s23 =	sadd.s32 $0x0, s20;
	s20 =	sadd.s32 s5, s3;
	s18 =	sadd.s32 $0x0, s17;
	v22 =	vld [tilespmem:s1+$0x20];
	v33 =	vmul.f32 v5, v29;
	v28 =	vmul.f32 v2, v29;
	v16 =	vadd.f32 v12, v18  }
0xb4: {  	s12 =	sadd.s32 $0x0, s12;
	s9 =	sadd.s32 s5, s26;
	s8 =	simm.s32 $0x0;
	v30 =	vmul.f32 v3, v29;
	v18 =	vadd.f32 v13, v24;
	v13 =	vadd.f32 v26, v35;
	v26 =	vld [tilespmem:s1+$0x40];
	[tilespmem:s18+$0x0] =	vst v21  }
0xb5: {  	s11 =	sadd.s32 $0x0, s11;
	s6 =	sadd.s32 $0x0, s20;
	s29 =	sadd.s32 $0x0, s16;
	v31 =	vmul.f32 v4, v29;
	v24 =	vmul.f32 v6, v29;
	v12 =	vadd.f32 v27, v36;
	v21 =	vld [tilespmem:s23+$0x0]  }
0xb6: {  	s16 =	simm.s32 $0x1;
	v29 =	vmul.f32 v8, v29;
	v14 =	vadd.f32 v14, v17;
	v17 =	vadd.f32 v15, v25;
	v25 =	vld [tilespmem:s1+$0x30];
	s18 =	sadd.s32 s5, s25;
	s5 =	sadd.s32 s5, s22  }
0xb7: {  	s9 =	sadd.s32 $0x0, s9;
	v27 =	vld [tilespmem:s1+$0x50];
	v15 =	vadd.f32 v23, v34;
	v23 =	vperm.xlane v10, v20;
	v34 =	vadd.f32 v37, v16;
	s13 =	sadd.s32 $0x0, s5;
	s5 =	sadd.s32 $0x0, s18  }
.LBB2_5:
0xb8: {  	_ = 	snop  }
0xb9: {  	s20 =	sand.u32 $0x7, s16;
	v36 =	vld [tilespmem:s1+$0x60];
	v32 =	vadd.f32 v34, v32;
	v35 =	vadd.f32 v22, v18  }
0xba: {  	v53 =	vld [tilespmem:s1+$0x70];
	s18 =	sshll.u32 s20, $0x8;
	v38 =	vmul.f32 v23, v11;
	v37 =	vadd.f32 v21, v19  }
0xbb: {  	v22 =	vld [tilespmem:s18+$0x17410];
	v25 =	vadd.f32 v25, v14;
	[tilespmem:s13+$0x10] =	vst v32;
	v33 =	vadd.f32 v35, v33  }
0xbc: {  	s17 =	sadd.s32 s31, s25;
	v39 =	vmul.f32 v7, v23;
	v26 =	vadd.f32 v26, v17;
	v56 =	vld [tilespmem:s11+$0x10];
	v54 =	vadd.f32 v37, v38  }
0xbd: {  	s4 =	sadd.s32 s31, s3;
	v55 =	vmul.f32 v5, v23;
	s1 =	sadd.s32 s8, s17;
	v21 =	vld [tilespmem:s18+$0x17420];
	v27 =	vadd.f32 v27, v15;
	v25 =	vadd.f32 v25, v28;
	[tilespmem:s13+$0x20] =	vst v33  }
0xbe: {  	s23 =	sadd.s32 s8, s4;
	v60 =	vmul.f32 v8, v23;
	v57 =	vadd.f32 v36, v13;
	v26 =	vadd.f32 v26, v30;
	[tilespmem:s1+$0x0] =	vst v54;
	v33 =	vld [tilespmem:s11+$0x20]  }
0xbf: {  	v28 =	vmul.f32 v2, v23;
	[tilespmem:s13+$0x30] =	vst v25;
	v25 =	vadd.f32 v27, v31;
	v31 =	vadd.f32 v53, v12;
	v58 =	vld [tilespmem:s23+$0x0]  }
0xc0: {  	v30 =	vmul.f32 v3, v23;
	v24 =	vadd.f32 v57, v24;
	v27 =	vmul.f32 v4, v23;
	[tilespmem:s13+$0x40] =	vst v26;
	v59 =	vld [tilespmem:s11+$0x30]  }
0xc1: {  	v26 =	vmul.f32 v6, v23;
	v61 =	vld [tilespmem:s11+$0x40];
	[tilespmem:s13+$0x50] =	vst v25;
	v23 =	vadd.f32 v31, v29;
	v29 =	vadd.f32 v56, v16  }
0xc2: {  	[tilespmem:s13+$0x60] =	vst v24;
	v25 =	vperm.xlane v1, v20;
	v31 =	vld [tilespmem:s11+$0x50]  }
0xc3: {  	v62 =	vld [tilespmem:s11+$0x60];
	[tilespmem:s13+$0x70] =	vst v23;
	v29 =	vadd.f32 v29, v39;
	v33 =	vadd.f32 v33, v18  }
0xc4: {  	v40 =	vmul.f32 v25, v11;
	v63 =	vld [tilespmem:s11+$0x70];
	v36 =	vadd.f32 v58, v19  }
0xc5: {  	v24 =	vld [tilespmem:s18+$0x17430];
	v44 =	vadd.f32 v59, v14;
	[tilespmem:s5+$0x10] =	vst v29;
	v32 =	vadd.f32 v33, v55  }
0xc6: {  	s4 =	sadd.s32 s31, s26;
	v41 =	vmul.f32 v7, v25;
	v46 =	vadd.f32 v61, v17;
	v47 =	vld [tilespmem:s6+$0x10];
	v45 =	vadd.f32 v36, v40  }
0xc7: {  	s10 =	sadd.s32 s31, s30;
	s1 =	sadd.s32 s8, s4;
	v23 =	vld [tilespmem:s18+$0x17440];
	v48 =	vmul.f32 v2, v25;
	v28 =	vadd.f32 v44, v28;
	v31 =	vadd.f32 v31, v15;
	[tilespmem:s5+$0x20] =	vst v32  }
0xc8: {  	v50 =	vmul.f32 v3, v25;
	s11 =	sadd.s32 s8, s10;
	v51 =	vadd.f32 v62, v13;
	v30 =	vadd.f32 v46, v30;
	[tilespmem:s1+$0x0] =	vst v45;
	v49 =	vld [tilespmem:s6+$0x20]  }
0xc9: {  	v54 =	vmul.f32 v8, v25;
	[tilespmem:s5+$0x30] =	vst v28;
	v27 =	vadd.f32 v31, v27;
	v31 =	vadd.f32 v63, v12;
	v52 =	vld [tilespmem:s11+$0x0]  }
0xca: {  	v29 =	vmul.f32 v5, v25;
	v26 =	vadd.f32 v51, v26;
	v28 =	vmul.f32 v4, v25;
	[tilespmem:s5+$0x40] =	vst v30;
	v53 =	vld [tilespmem:s6+$0x30]  }
0xcb: {  	v30 =	vmul.f32 v6, v25;
	v55 =	vld [tilespmem:s6+$0x40];
	[tilespmem:s5+$0x50] =	vst v27;
	v25 =	vadd.f32 v31, v60;
	v27 =	vadd.f32 v47, v16  }
0xcc: {  	v20 =	vperm.xlane v0, v20;
	[tilespmem:s5+$0x60] =	vst v26;
	v31 =	vld [tilespmem:s6+$0x50]  }
0xcd: {  	v56 =	vld [tilespmem:s6+$0x60];
	[tilespmem:s5+$0x70] =	vst v25;
	v27 =	vadd.f32 v27, v41;
	v26 =	vadd.f32 v49, v18  }
0xce: {  	v11 =	vmul.f32 v20, v11;
	v57 =	vld [tilespmem:s6+$0x70];
	v19 =	vadd.f32 v52, v19  }
0xcf: {  	v25 =	vld [tilespmem:s18+$0x17450];
	v58 =	vadd.f32 v53, v14;
	[tilespmem:s9+$0x10] =	vst v27;
	v29 =	vadd.f32 v26, v29  }
0xd0: {  	s13 =	sadd.s32 s31, s28;
	v59 =	vld [tilespmem:s12+$0x10];
	v11 =	vadd.f32 v19, v11;
	v19 =	vadd.f32 v55, v17  }
0xd1: {  	s1 =	sadd.s32 s8, s13;
	v60 =	vmul.f32 v2, v20;
	v27 =	vld [tilespmem:s18+$0x17470];
	v2 =	vadd.f32 v31, v15;
	[tilespmem:s9+$0x20] =	vst v29;
	v29 =	vadd.f32 v58, v48  }
0xd2: {  	v26 =	vld [tilespmem:s18+$0x17460];
	[tilespmem:s1+$0x0] =	vst v11;
	v19 =	vadd.f32 v19, v50  }
0xd3: {  	v2 =	vadd.f32 v2, v28;
	v28 =	vmul.f32 v4, v20;
	v4 =	vadd.f32 v57, v12;
	v11 =	vld [tilespmem:s12+$0x20];
	[tilespmem:s9+$0x30] =	vst v29  }
0xd4: {  	v7 =	vmul.f32 v7, v20;
	v31 =	vmul.f32 v3, v20;
	v3 =	vadd.f32 v56, v13;
	[tilespmem:s9+$0x40] =	vst v19;
	v29 =	vld [tilespmem:s12+$0x30]  }
0xd5: {  	s15 =	sshll.u32 s20, $0x9;
	v19 =	vmul.f32 v6, v20;
	[tilespmem:s9+$0x50] =	vst v2;
	v2 =	vadd.f32 v4, v54;
	v4 =	vadd.f32 v59, v16;
	v6 =	vld [tilespmem:s12+$0x40]  }
0xd6: {  	s4 =	sshrl.u32 s15, $0x2;
	v5 =	vmul.f32 v5, v20;
	v3 =	vadd.f32 v3, v30;
	v20 =	vmul.f32 v8, v20;
	v8 =	vld [tilespmem:s12+$0x50]  }
0xd7: {  	[tilespmem:s9+$0x70] =	vst v2;
	v2 =	vadd.f32 v4, v7;
	v7 =	vld [tilespmem:s4+$0x17C10]  }
0xd8: {  	[tilespmem:s9+$0x60] =	vst v3;
	v16 =	vld [tilespmem:s12+$0x70];
	v3 =	vadd.f32 v11, v18  }
0xd9: {  	s2 =	sadd.s32 $0x8, s2;
	v11 =	vld [tilespmem:s12+$0x60]  }
0xda: {  	s17 =	sand.u32 $0x38, s2;
	[tilespmem:s29+$0x10] =	vst v2;
	v2 =	vld [tilespmem:s4+$0x17C30];
	v3 =	vadd.f32 v3, v5  }
0xdb: {  	s20 =	sadd.s32 s15, s3;
	s31 =	sshll.u32 s17, $0x6;
	v4 =	vadd.f32 v29, v14;
	v5 =	vld [tilespmem:s4+$0x17C20]  }
0xdc: {  	s17 =	sshll.u32 s17, $0x5;
	s10 =	sshrl.u32 s2, $0x6;
	s23 =	sadd.s32 s31, s7;
	v6 =	vadd.f32 v6, v17;
	[tilespmem:s29+$0x20] =	vst v3;
	v3 =	vld [tilespmem:s4+$0x17C40]  }
0xdd: {  	s13 =	sadd.s32 s15, s22;
	s8 =	sshll.u32 s10, $0x7;
	s11 =	sadd.s32 s15, s0;
	v8 =	vadd.f32 v8, v15;
	v14 =	vadd.f32 v4, v60;
	v4 =	vld [tilespmem:s4+$0x17C50]  }
0xde: {  	s23 =	sadd.s32 s8, s23;
	s5 =	sadd.s32 s15, s14;
	s6 =	sadd.s32 s15, s25;
	v15 =	vadd.f32 v6, v31;
	v12 =	vadd.f32 v16, v12;
	v6 =	vld [tilespmem:s4+$0x17C60]  }
0xdf: {  	s18 =	sadd.s32 s15, s28;
	s1 =	sadd.s32 s15, s7;
	s9 =	sadd.s32 s15, s26;
	v11 =	vadd.f32 v11, v13;
	v13 =	vadd.f32 v8, v28;
	v8 =	vld [tilespmem:s4+$0x17C70]  }
0xe0: {  	s12 =	sadd.s32 s15, s30;
	s15 =	rddreg [dreg:$0x6];
	[tilespmem:s29+$0x30] =	vst v14;
	v14 =	vld [tilespmem:s23+$0x0];
	s23 =	sadd.s32 s31, s0  }
0xe1: {  	s10 =	sor.u32 s15, s10;
	v12 =	vadd.f32 v12, v20;
	[tilespmem:s29+$0x50] =	vst v13;
	v13 =	vld [tilespmem:s17+$0x17400];
	s15 =	sadd.s32 s8, s23  }
0xe2: {  	[tilespmem:s29+$0x40] =	vst v15;
	v11 =	vadd.f32 v11, v19;
	s17 =	sadd.s32 s8, s1;
	v15 =	vld [tilespmem:s15+$0x0]  }
0xe3: {  	s1 =	sadd.s32 s8, s11;
	s11 =	sshrl.u32 s31, $0x2;
	[tilespmem:s29+$0x70] =	vst v12;
	v12 =	vmov s10;
	v17 =	vld [tilespmem:s17+$0x20]  }
0xe4: {  	[tilespmem:s29+$0x60] =	vst v11;
	v11 =	vld [tilespmem:s11+$0x17C00];
	v12 =	vand.u32 $0xF, v12  }
0xe5: {  	v20 =	vbroadcast v12, $0x0;
	v12 =	vld [tilespmem:s17+$0x10]  }
0xe6: {  	v29 =	vld [tilespmem:s17+$0x40]  }
0xe7: {  	v61 =	vld [tilespmem:s17+$0x50];
	v19 =	vadd.f32 v13, v14;
	v13 =	vperm.xlane v9, v20  }
0xe8: {  	v63 =	vld [tilespmem:s1+$0x10]  }
0xe9: {  	v14 =	vld [tilespmem:s17+$0x30];
	v15 =	vadd.f32 v15, v19;
	v18 =	vmul.f32 v13, v11  }
0xea: {  	p0 =	slt.u32 s2, $0xF8;
	s11 =	sadd.s32 s8, s5;
	s5 =	sadd.s32 s8, s6;
	v16 =	vadd.f32 v22, v12;
	v12 =	vld [tilespmem:s17+$0x60]  }
0xeb: {  	s6 =	sadd.s32 s8, s20;
	s29 =	sadd.s32 s8, s18;
	s18 =	sadd.s32 s31, s22;
	v62 =	vld [tilespmem:s17+$0x70];
	v32 =	vmul.f32 v7, v13;
	v15 =	vadd.f32 v15, v18  }
.Ltmp1:
0xec: {  	s20 =	sadd.s32 s31, s14;
	s4 =	sadd.s32 s8, s18;
	v33 =	vmul.f32 v5, v13;
	v28 =	vmul.f32 v2, v13;
	v22 =	vld [tilespmem:s1+$0x20];
	(pc) =	sbr.rel @p0 .LBB2_5-.Ltmp1, $4  }
0xed: {  	s23 =	sadd.s32 s8, s20;
	v30 =	vmul.f32 v3, v13;
	v31 =	vmul.f32 v4, v13;
	[tilespmem:s4+$0x0] =	vst v15;
	v15 =	vadd.f32 v25, v61;
	v25 =	vld [tilespmem:s1+$0x30]  }
0xee: {  	v18 =	vadd.f32 v21, v17;
	v17 =	vadd.f32 v23, v29;
	v29 =	vmul.f32 v8, v13;
	v21 =	vld [tilespmem:s23+$0x0]  }
0xef: {  	s16 =	sadd.s32 $0x1, s16;
	v14 =	vadd.f32 v24, v14;
	v24 =	vmul.f32 v6, v13;
	v13 =	vadd.f32 v26, v12;
	v26 =	vld [tilespmem:s1+$0x40]  }
0xf0: {  	s13 =	sadd.s32 s8, s13;
	s9 =	sadd.s32 s8, s9;
	s12 =	sadd.s32 s8, s12;
	v23 =	vperm.xlane v10, v20;
	v34 =	vadd.f32 v63, v16;
	v12 =	vadd.f32 v27, v62;
	v27 =	vld [tilespmem:s1+$0x50]  }
0xf1: {  	v9 =	vld [tilespmem:s1+$0x60]  }
0xf2: {  	v10 =	vadd.f32 v22, v18;
	v56 =	vld [tilespmem:s1+$0x70]  }
0xf3: {  	v32 =	vadd.f32 v34, v32;
	v25 =	vadd.f32 v25, v14  }
0xf4: {  	v10 =	vadd.f32 v10, v33;
	v26 =	vadd.f32 v26, v17  }
0xf5: {  	[tilespmem:s13+$0x10] =	vst v32;
	v25 =	vadd.f32 v25, v28;
	v27 =	vadd.f32 v27, v15  }
0xf6: {  	v57 =	vld [tilespmem:s11+$0x10];
	[tilespmem:s13+$0x20] =	vst v10;
	v58 =	vadd.f32 v26, v30;
	v9 =	vadd.f32 v9, v13  }
0xf7: {  	v59 =	vld [tilespmem:s11+$0x20];
	[tilespmem:s13+$0x30] =	vst v25;
	v22 =	vadd.f32 v56, v12;
	v60 =	vadd.f32 v27, v31  }
0xf8: {  	v61 =	vld [tilespmem:s11+$0x30];
	[tilespmem:s13+$0x40] =	vst v58;
	v9 =	vadd.f32 v9, v24  }
0xf9: {  	v22 =	vadd.f32 v22, v29;
	v10 =	vld [tilespmem:s11+$0x40];
	[tilespmem:s13+$0x50] =	vst v60  }
0xfa: {  	v62 =	vmul.f32 v23, v11;
	v21 =	vadd.f32 v21, v19;
	v25 =	vld [tilespmem:s11+$0x50];
	[tilespmem:s13+$0x60] =	vst v9  }
0xfb: {  	v63 =	vmul.f32 v7, v23;
	v28 =	vadd.f32 v57, v16;
	[tilespmem:s13+$0x70] =	vst v22;
	v33 =	vld [tilespmem:s11+$0x60]  }
0xfc: {  	s0 =	sadd.s32 s31, s25;
	v34 =	vmul.f32 v5, v23;
	v21 =	vadd.f32 v21, v62;
	v35 =	vadd.f32 v59, v18;
	v36 =	vld [tilespmem:s11+$0x70]  }
0xfd: {  	s0 =	sadd.s32 s8, s0;
	v37 =	vmul.f32 v2, v23;
	s13 =	sadd.s32 s31, s3;
	v9 =	vadd.f32 v28, v63;
	v27 =	vadd.f32 v61, v14  }
0xfe: {  	v38 =	vmul.f32 v3, v23;
	[tilespmem:s0+$0x0] =	vst v21;
	s14 =	sadd.s32 s8, s13;
	v22 =	vadd.f32 v35, v34;
	v10 =	vadd.f32 v10, v17  }
0xff: {  	v40 =	vmul.f32 v4, v23;
	v39 =	vld [tilespmem:s14+$0x0];
	[tilespmem:s5+$0x10] =	vst v9;
	v41 =	vadd.f32 v27, v37;
	v25 =	vadd.f32 v25, v15  }
0x100: {  	v42 =	vmul.f32 v6, v23;
	v43 =	vld [tilespmem:s6+$0x10];
	[tilespmem:s5+$0x20] =	vst v22;
	v10 =	vadd.f32 v10, v38;
	v44 =	vadd.f32 v33, v13  }
0x101: {  	v45 =	vmul.f32 v8, v23;
	v46 =	vld [tilespmem:s6+$0x20];
	[tilespmem:s5+$0x30] =	vst v41;
	v48 =	vadd.f32 v36, v12;
	v47 =	vadd.f32 v25, v40  }
0x102: {  	v1 =	vperm.xlane v1, v20;
	v49 =	vld [tilespmem:s6+$0x30];
	[tilespmem:s5+$0x40] =	vst v10;
	v50 =	vadd.f32 v44, v42  }
0x103: {  	v52 =	vadd.f32 v48, v45;
	v51 =	vld [tilespmem:s6+$0x40];
	[tilespmem:s5+$0x50] =	vst v47  }
0x104: {  	v54 =	vmul.f32 v1, v11;
	v53 =	vadd.f32 v39, v19;
	v55 =	vld [tilespmem:s6+$0x50];
	[tilespmem:s5+$0x60] =	vst v50  }
0x105: {  	v56 =	vmul.f32 v7, v1;
	v57 =	vadd.f32 v43, v16;
	[tilespmem:s5+$0x70] =	vst v52;
	v58 =	vld [tilespmem:s6+$0x60]  }
0x106: {  	s15 =	sadd.s32 s31, s26;
	v60 =	vmul.f32 v5, v1;
	v59 =	vadd.f32 v53, v54;
	v23 =	vadd.f32 v46, v18;
	v61 =	vld [tilespmem:s6+$0x70]  }
0x107: {  	s16 =	sadd.s32 s31, s30;
	v62 =	vmul.f32 v2, v1;
	s0 =	sadd.s32 s8, s15;
	v10 =	vadd.f32 v57, v56;
	v26 =	vadd.f32 v49, v14  }
0x108: {  	s17 =	sadd.s32 s8, s16;
	v63 =	vmul.f32 v3, v1;
	[tilespmem:s0+$0x0] =	vst v59;
	v22 =	vadd.f32 v23, v60;
	v21 =	vadd.f32 v51, v17  }
0x109: {  	v33 =	vmul.f32 v4, v1;
	v32 =	vld [tilespmem:s17+$0x0];
	[tilespmem:s9+$0x10] =	vst v10;
	v34 =	vadd.f32 v26, v62;
	v25 =	vadd.f32 v55, v15  }
0x10a: {  	v35 =	vmul.f32 v6, v1;
	v36 =	vld [tilespmem:s12+$0x10];
	[tilespmem:s9+$0x20] =	vst v22;
	v9 =	vadd.f32 v21, v63;
	v37 =	vadd.f32 v58, v13  }
0x10b: {  	v1 =	vmul.f32 v8, v1;
	v22 =	vld [tilespmem:s12+$0x20];
	[tilespmem:s9+$0x30] =	vst v34;
	v24 =	vadd.f32 v61, v12;
	v38 =	vadd.f32 v25, v33  }
0x10c: {  	v0 =	vperm.xlane v0, v20;
	v39 =	vld [tilespmem:s12+$0x30];
	[tilespmem:s9+$0x40] =	vst v9;
	v40 =	vadd.f32 v37, v35  }
0x10d: {  	v1 =	vadd.f32 v24, v1;
	v41 =	vld [tilespmem:s12+$0x40];
	[tilespmem:s9+$0x50] =	vst v38  }
0x10e: {  	v43 =	vmul.f32 v0, v11;
	v42 =	vadd.f32 v32, v19;
	v44 =	vld [tilespmem:s12+$0x50];
	[tilespmem:s9+$0x60] =	vst v40  }
0x10f: {  	v45 =	vmul.f32 v7, v0;
	v46 =	vadd.f32 v36, v16;
	[tilespmem:s9+$0x70] =	vst v1;
	v47 =	vld [tilespmem:s12+$0x60]  }
0x110: {  	s18 =	sadd.s32 s31, s28;
	v49 =	vmul.f32 v5, v0;
	v48 =	vadd.f32 v42, v43;
	v50 =	vadd.f32 v22, v18;
	v51 =	vld [tilespmem:s12+$0x70]  }
0x111: {  	v52 =	vmul.f32 v2, v0;
	s0 =	sadd.s32 s8, s18;
	v7 =	vadd.f32 v46, v45;
	v53 =	vadd.f32 v39, v14  }
0x112: {  	v54 =	vmul.f32 v3, v0;
	[tilespmem:s0+$0x0] =	vst v48;
	v55 =	vadd.f32 v50, v49;
	v56 =	vadd.f32 v41, v17  }
0x113: {  	v57 =	vmul.f32 v4, v0;
	[tilespmem:s29+$0x10] =	vst v7;
	v2 =	vadd.f32 v53, v52;
	v58 =	vadd.f32 v44, v15  }
0x114: {  	v59 =	vmul.f32 v6, v0;
	[tilespmem:s29+$0x20] =	vst v55;
	v1 =	vadd.f32 v56, v54;
	v60 =	vadd.f32 v47, v13  }
0x115: {  	v0 =	vmul.f32 v8, v0;
	[tilespmem:s29+$0x30] =	vst v2;
	v62 =	vadd.f32 v51, v12;
	v61 =	vadd.f32 v58, v57  }
0x116: {  	[tilespmem:s29+$0x40] =	vst v1;
	v63 =	vadd.f32 v60, v59  }
0x117: {  	v0 =	vadd.f32 v62, v0;
	[tilespmem:s29+$0x50] =	vst v61  }
0x118: {  	s20 =	sshll.u32 s21, $0x9;
	s23 =	sshll.u32 s21, $0x6;
	[tilespmem:s29+$0x60] =	vst v63  }
0x119: {  	s1 =	sand.u32 $0x40, s23;
	s0 =	sand.u32 $0x1C00, s20;
	[tilespmem:s29+$0x70] =	vst v0  }
0x11a: {  	s0 =	sor.u32 s1, s0;
	s30 =	rddreg [dreg:$0x10]  }
0x11b: {  	s2 =	simm.s32 $0x200;
	s21 =	sadd.s32 $0x1, s21;
	s0 =	sadd.s32 s0, s30  }
0x11c: {  	[hbm4b:s0+s2] =	stream.strided.scatter [tilespmem:s22], [sflag:$0x2], $0x1000, s24, s2, $0x38;
	[tilespmem:$0x18000] =	vst v63  }
0x11d: {  	p0 =	sne.s32 s21, $0x10;
	s1 =	sadd.s32 $0x40000, s0  }
0x11e: {  	[hbm4b:s1+s2] =	stream.strided.scatter [tilespmem:s25], [sflag:$0x2], $0x1000, s24, s2, $0x38;
	[tilespmem:$0x18000] =	vst v63  }
.Ltmp2:
0x11f: {  	_ = 	snop;
	(pc) =	sbr.rel @p0 .LBB2_4-.Ltmp2, $4  }
0x120: {  	s31 =	sadd.s32 $0x80000, s0  }
0x121: {  	[hbm4b:s31+s2] =	stream.strided.scatter [tilespmem:s26], [sflag:$0x2], $0x1000, s24, s2, $0x38;
	[tilespmem:$0x18000] =	vst v63  }
0x122: {  	s0 =	sadd.s32 $0xC0000, s0  }
0x123: {  	[hbm4b:s0+s2] =	stream.strided.scatter [tilespmem:s28], [sflag:$0x2], $0x1000, s24, s2, $0x38;
	[tilespmem:$0x18000] =	vst v63  }
0x124: {  	s1 =	simm.s32 $0x2  }
0x125: {  	_ =	swait.ge [sflag:s1], $0x4000  }
0x126: {  	[sflag:s1] =	ssyncset.done $0x0  }
0x127: {  	[sflag:s1] =	ssyncadd.s32 $0xFFFFC000  }
0x128: {  	_ =	swait.ge [sflag:s1], $0x4000  }
0x129: {  	s2 =	rddreg [dreg:$0x12]  }
0x12a: {  	s0 =	rddreg [dreg:$0x11];
	s2 =	sadd.s32 $0x1, s2  }
0x12b: {  	p0 =	sne.s32 s2, s0  }
.Ltmp3:
0x12c: {  	_ = 	snop;
	(pc) =	sbr.rel @p0 .LBB2_1-.Ltmp3, $3  }
0x12d: {  	_ =	sdelay $0x1  }
0x12e: {  	[sflag:s1] =	ssyncset.done $0x0  }
0x12f: {  	[sflag:s1] =	ssyncadd.s32 $0xFFFFC000  }
0x130: {  	_ =	sfence.sel $0x180000  }
0x131: {  	[bflag:$0x0] =	sbarrier.arrive $0xFFFF  }
0x132: {  	_ =	strace $0x90000047  }
0x133: {  	s0 =	stileid.u32;
	[bflag:$0x2] =	sbarrier.arrive $0xFFFF  }
0x134: {  	p0 =	sne.s32 s0, $0x0;
	s0 =	rddreg [dreg:$0x5]  }
0x135: {  	s0 =	sadd.s32 @!p0 $0x100000, s0  }
0x136: {  	[sflag:s0] =	ssyncadd.tile.s32 @!p0 $0x1;
	_ =	shalt  }
.Lfunc_end2:
_tile_overlayer_lowered:
.L_overlay_start_2:
0x137: {  	(tag) =	ssettag $0x2  }
0x138: {  	s0 =	rddreg [dreg:$0x0];
	s2 =	stileid.u32  }
0x139: {  	s1 =	rddreg [dreg:$0x1];
	p0 =	sne.s32 s2, $0x0  }
0x13a: {  	s3 =	rddreg [dreg:$0x2];
	[bflag:$0x3] =	sbarrier.arrive $0xFFFF;
	s2 =	simm.s32 @!p0 $0x1C03  }
0x13b: {  	[timem:s3], [sflag:s2] =	dma.local @!p0 [hbm:s0], s1  }
0x13c: {  	s0 =	simm.s32 @!p0 $0x3  }
0x13d: {  	_ =	swait.ge @!p0 [sflag:s0], s1  }
0x13e: {  	s1 =	ssub.s32 @!p0 $0x0, s1;
	[sflag:s0] =	ssyncset.done @!p0 $0x0  }
0x13f: {  	[sflag:s0] =	ssyncadd.s32 @!p0 s1  }
0x140: {  	[bflag:$0x3] =	sbarrier.arrive $0xFFFF  }
0x141: {  	_ =	shalt  }

</sc_bundles>
